<compile_context>
chip_gen: v7x
topology: tpu7x:2x2x1
jax: 0.10.2.dev20260603
libtpu: 0.0.44.dev20260713+nightly
codegen_flags: <defaults>
</compile_context>

<pallas_src>
import functools

import jax
import jax.numpy as jnp
from jax import lax
from jax.experimental import pallas as pl
from jax.experimental.pallas import tpu as pltpu
from jax.experimental.pallas import tpu_sc as plsc

_PREC = lax.Precision.HIGHEST

_NC = 2
_NS = 16
_NW = _NC * _NS


def _lrelu(v):
    return jnp.where(v > 0, v, 0.01 * v)


def _dot(a, b):
    return jnp.dot(a, b, preferred_element_type=jnp.float32, precision=_PREC)


def _bdot(a, b):
    return jnp.dot(a.astype(jnp.bfloat16), b.astype(jnp.bfloat16),
                   preferred_element_type=jnp.float32)



def _sc_gather(table, idx, chunk=5000):
    E = idx.shape[0]
    D = table.shape[1]
    per_w = E // _NW
    mesh = plsc.VectorSubcoreMesh(core_axis_name="c", subcore_axis_name="s")

    @functools.partial(
        pl.kernel,
        out_type=jax.ShapeDtypeStruct((E, D), jnp.float32),
        mesh=mesh,
        scratch_types=[
            pltpu.VMEM((chunk,), jnp.int32),
            pltpu.VMEM((chunk, D), jnp.float32),
            pltpu.SemaphoreType.DMA,
        ],
        compiler_params=pltpu.CompilerParams(use_tc_tiling_on_sc=False),
    )
    def k(table_hbm, idx_hbm, out_hbm, idx_v, rows_v, sem):
        wid = lax.axis_index("s") * _NC + lax.axis_index("c")
        base = wid * per_w

        @pl.loop(0, per_w, step=chunk)
        def _(off):
            pltpu.sync_copy(idx_hbm.at[pl.ds(base + off, chunk)], idx_v)
            pltpu.async_copy(table_hbm.at[idx_v], rows_v, sem).wait()
            pltpu.sync_copy(rows_v, out_hbm.at[pl.ds(base + off, chunk)])

    return k(table, idx)


def _sc_scatter_add(vals, idx, zeros, chunk=5000):
    E, D = vals.shape
    n_rows = zeros.shape[0]
    per_w = E // _NW
    rows_per_s = n_rows // _NS
    mesh = plsc.VectorSubcoreMesh(core_axis_name="c", subcore_axis_name="s")

    @functools.partial(
        pl.kernel,
        out_type=jax.ShapeDtypeStruct((_NC, n_rows, D), jnp.float32),
        mesh=mesh,
        scratch_types=[
            pltpu.VMEM((chunk,), jnp.int32),
            pltpu.VMEM((chunk, D), jnp.float32),
            pltpu.VMEM_SHARED((n_rows, D), jnp.float32),
        ],
        compiler_params=pltpu.CompilerParams(use_tc_tiling_on_sc=False),
    )
    def k(vals_hbm, idx_hbm, zeros_hbm, out_hbm, idx_v, val_v, acc_sh):
        cid = lax.axis_index("c")
        sid = lax.axis_index("s")
        wid = sid * _NC + cid
        row0 = sid * rows_per_s
        pltpu.sync_copy(zeros_hbm.at[pl.ds(row0, rows_per_s)],
                        acc_sh.at[pl.ds(row0, rows_per_s)])
        plsc.subcore_barrier()

        base = wid * per_w

        @pl.loop(0, per_w, step=chunk)
        def _(off):
            pltpu.sync_copy(idx_hbm.at[pl.ds(base + off, chunk)], idx_v)
            pltpu.sync_copy(vals_hbm.at[pl.ds(base + off, chunk)], val_v)
            pltpu.sync_copy(val_v, acc_sh.at[idx_v], add=True)

        plsc.subcore_barrier()
        pltpu.sync_copy(acc_sh.at[pl.ds(row0, rows_per_s)],
                        out_hbm.at[cid, pl.ds(row0, rows_per_s)])

    return k(vals, idx, zeros)



def _full(a):
    return pl.BlockSpec(a.shape, lambda i: (0,) * a.ndim)


def _node_encoder_tc(x, tw, Wn1, Bn1, Wn2, Bn2, Wt, Bt, block=2000):
    N = x.shape[0]
    DIM = Wn1.shape[1]

    def body(x_ref, tw_ref, wn1, bn1, wn2, bn2, wt, bt, out_ref):
        h1 = _lrelu(_bdot(x_ref[...], wn1[...]) + bn1[...])
        h = _bdot(h1, wn2[...]) + bn2[...]
        t = tw_ref[...] * wt[...] + bt[...]
        out_ref[...] = h * t

    return pl.pallas_call(
        body,
        grid=(N // block,),
        in_specs=[
            pl.BlockSpec((block, x.shape[1]), lambda i: (i, 0)),
            pl.BlockSpec((block, 1), lambda i: (i, 0)),
            _full(Wn1), _full(Bn1), _full(Wn2), _full(Bn2),
            _full(Wt), _full(Bt),
        ],
        out_specs=pl.BlockSpec((block, DIM), lambda i: (i, 0)),
        out_shape=jax.ShapeDtypeStruct((N, DIM), jnp.float32),
    )(x, tw, Wn1, Bn1, Wn2, Bn2, Wt, Bt)


def _edge_mlp_tc(hs, er, We1, Be1, We2, Be2, w1a, w1b, b1, w2, b2, w3, b3,
                 block=8000):
    E = hs.shape[0]
    Dh = hs.shape[1]
    De = er.shape[1]
    Dout = w3.shape[1]
    grid = (E // block,)

    def body(hs_ref, er_ref, we1, be1, we2, be2,
             w1a_r, w1b_r, b1_r, w2_r, b2_r, w3_r, b3_r, out_ref):
        ea = _bdot(_lrelu(_bdot(er_ref[...], we1[...]) + be1[...]),
                   we2[...]) + be2[...]
        mm = _lrelu(_bdot(hs_ref[...], w1a_r[...]) +
                    _bdot(ea, w1b_r[...]) + b1_r[...])
        mm = _lrelu(_bdot(mm, w2_r[...]) + b2_r[...])
        out_ref[...] = _bdot(mm, w3_r[...]) + b3_r[...]

    return pl.pallas_call(
        body,
        grid=grid,
        in_specs=[
            pl.BlockSpec((block, Dh), lambda i: (i, 0)),
            pl.BlockSpec((block, De), lambda i: (i, 0)),
            _full(We1), _full(Be1), _full(We2), _full(Be2),
            _full(w1a), _full(w1b), _full(b1), _full(w2), _full(b2),
            _full(w3), _full(b3),
        ],
        out_specs=pl.BlockSpec((block, Dout), lambda i: (i, 0)),
        out_shape=jax.ShapeDtypeStruct((E, Dout), jnp.float32),
    )(hs, er, We1, Be1, We2, Be2, w1a, w1b, b1, w2, b2, w3, b3)


def _combine_bn_tc(agg, h, root1, bias1, gamma, beta, block=2000):
    N = h.shape[0]
    C = root1.shape[1]
    nb = N // block

    def body1(agg_ref, h_ref, r, b, s_ref, ps_ref, pq_ref):
        s = agg_ref[0] + agg_ref[1] + _dot(h_ref[...], r[...]) + b[...]
        s = jnp.maximum(s, 0.0)
        s_ref[...] = s
        ps_ref[...] = jnp.sum(s, axis=0, keepdims=True)[None]
        pq_ref[...] = jnp.sum(s * s, axis=0, keepdims=True)[None]

    s, ps, pq = pl.pallas_call(
        body1,
        grid=(nb,),
        in_specs=[
            pl.BlockSpec((2, block, C), lambda i: (0, i, 0)),
            pl.BlockSpec((block, h.shape[1]), lambda i: (i, 0)),
            _full(root1), _full(bias1),
        ],
        out_specs=[
            pl.BlockSpec((block, C), lambda i: (i, 0)),
            pl.BlockSpec((1, 1, C), lambda i: (i, 0, 0)),
            pl.BlockSpec((1, 1, C), lambda i: (i, 0, 0)),
        ],
        out_shape=[
            jax.ShapeDtypeStruct((N, C), jnp.float32),
            jax.ShapeDtypeStruct((nb, 1, C), jnp.float32),
            jax.ShapeDtypeStruct((nb, 1, C), jnp.float32),
        ],
    )(agg, h, root1, bias1)

    def body2(s_ref, ps_ref, pq_ref, g, be, out_ref):
        mu = jnp.sum(ps_ref[...], axis=0) / N
        msq = jnp.sum(pq_ref[...], axis=0) / N
        var = msq - mu * mu
        out_ref[...] = ((s_ref[...] - mu) * lax.rsqrt(var + 1e-5) * g[...]
                        + be[...])

    return pl.pallas_call(
        body2,
        grid=(nb,),
        in_specs=[
            pl.BlockSpec((block, C), lambda i: (i, 0)),
            _full(ps), _full(pq), _full(gamma), _full(beta),
        ],
        out_specs=pl.BlockSpec((block, C), lambda i: (i, 0)),
        out_shape=jax.ShapeDtypeStruct((N, C), jnp.float32),
    )(s, ps, pq, gamma, beta)


def _final_tc(x1, agg2, root2, bias2, wfc_a, wfc_b, Bfc):
    N = x1.shape[0]
    NCq = wfc_a.shape[1]

    def body(x1_ref, agg_ref, r, b, wa, wb, bf, out_ref):
        x1v = x1_ref[...]
        x2 = jnp.maximum(
            agg_ref[0] + agg_ref[1] + _dot(x1v, r[...]) + b[...], 0.0)
        logits = _dot(x1v, wa[...]) + _dot(x2, wb[...]) + bf[...]
        ls = logits - jnp.max(logits, axis=1, keepdims=True)
        lse = jnp.log(jnp.sum(jnp.exp(ls), axis=1, keepdims=True))
        out_ref[...] = ls - lse

    block = 2000
    C = x1.shape[1]
    return pl.pallas_call(
        body,
        grid=(N // block,),
        in_specs=[
            pl.BlockSpec((block, C), lambda i: (i, 0)),
            pl.BlockSpec((2, block, NCq), lambda i: (0, i, 0)),
            _full(root2), _full(bias2), _full(wfc_a), _full(wfc_b),
            _full(Bfc),
        ],
        out_specs=pl.BlockSpec((block, NCq), lambda i: (i, 0)),
        out_shape=jax.ShapeDtypeStruct((N, NCq), jnp.float32),
    )(x1, agg2, root2, bias2, wfc_a, wfc_b, Bfc)



def kernel(x, edge_index, edge_attr, time_weights,
           Wn1, Bn1, Wn2, Bn2, We1, Be1, We2, Be2, Wt, Bt,
           c1w1, c1b1, c1w2, c1b2, c1w3, c1b3, root1, bias1,
           bn_gamma, bn_beta,
           c2w1, c2b1, c2w2, c2b2, c2w3, c2b3, root2, bias2,
           Wfc, Bfc):
    N = x.shape[0]
    DIM = Wn1.shape[1]
    CONV = root1.shape[1]
    NC2 = c2w3.shape[1]
    src = edge_index[0].astype(jnp.int32)
    dst = edge_index[1].astype(jnp.int32)
    E = src.shape[0]

    P = 8
    EP = E // P
    r2 = lambda v: v.reshape(1, -1)
    bd = lambda w: jnp.kron(jnp.eye(P, dtype=w.dtype), w)
    bt = lambda b: jnp.tile(b, P).reshape(1, -1)

    er_p = edge_attr.reshape(EP, -1)

    h = _node_encoder_tc(x, time_weights, Wn1, r2(Bn1), Wn2, r2(Bn2),
                         Wt, r2(Bt))

    hs = _sc_gather(h, src)
    m_p = _edge_mlp_tc(hs.reshape(EP, -1), er_p,
                       bd(We1), bt(Be1), bd(We2), bt(Be2),
                       bd(c1w1[:DIM]), bd(c1w1[DIM:]), bt(c1b1),
                       bd(c1w2), bt(c1b2), bd(c1w3), bt(c1b3), block=2000)
    agg = _sc_scatter_add(m_p.reshape(E, CONV), dst,
                          jnp.zeros((N, CONV), jnp.float32))
    x1 = _combine_bn_tc(agg, h, root1, r2(bias1), r2(bn_gamma), r2(bn_beta))

    x1s = _sc_gather(x1, src)
    m2_p = _edge_mlp_tc(x1s.reshape(EP, -1), er_p,
                        bd(We1), bt(Be1), bd(We2), bt(Be2),
                        bd(c2w1[:CONV]), bd(c2w1[CONV:]), bt(c2b1),
                        bd(c2w2), bt(c2b2), bd(c2w3), bt(c2b3), block=2000)
    agg2 = _sc_scatter_add(m2_p.reshape(E, NC2), dst,
                           jnp.zeros((N, NC2), jnp.float32))

    return _final_tc(x1, agg2, root2, r2(bias2),
                     Wfc[:CONV], Wfc[CONV:], r2(Bfc))

# --- scband reference (transcript-rebuilt; emitter-appended) ---
"""Pipeline reference for scband-stgen-28552942584334 (READ-ONLY COPY).

The authoritative reference and input builder live on the scoring server;
editing this copy changes nothing except your own understanding.
"""

import jax, jax.numpy as jnp
import numpy as np

N = 10000
E = 320000
D_IN = 128
DIM = 16
CONV = 8
NC = 16
D_EDGE = 16


def lrelu(v):
    return jnp.where(v > 0, v, 0.01 * v)


def setup_inputs(seed: int = 0) -> dict:
    key = jax.random.key(seed)
    ks = iter(jax.random.split(key, 64))
    inp = {}
    inp['x'] = jax.random.normal(next(ks), (N, D_IN), dtype=jnp.float32)
    inp['edge_index'] = jax.random.randint(next(ks), (2, E), 0, N, dtype=jnp.int64)
    inp['edge_attr'] = jax.random.normal(next(ks), (E, D_EDGE), dtype=jnp.float32)
    inp['time_weights'] = jax.random.uniform(next(ks), (N, 1), dtype=jnp.float32)
    def lin(k, i, o):
        s = 1.0 / np.sqrt(i)
        return jax.random.uniform(k, (i, o), jnp.float32, -s, s)
    # node encoder
    inp['Wn1'] = lin(next(ks), D_IN, DIM); inp['Bn1'] = jnp.zeros((DIM,), jnp.float32)
    inp['Wn2'] = lin(next(ks), DIM, DIM); inp['Bn2'] = jnp.zeros((DIM,), jnp.float32)
    # edge encoder
    inp['We1'] = lin(next(ks), D_EDGE, DIM); inp['Be1'] = jnp.zeros((DIM,), jnp.float32)
    inp['We2'] = lin(next(ks), DIM, DIM); inp['Be2'] = jnp.zeros((DIM,), jnp.float32)
    # time weights fc
    inp['Wt'] = lin(next(ks), 1, DIM); inp['Bt'] = jnp.zeros((DIM,), jnp.float32)
    # conv1 message nn: (dim+dim)->(dim+dim)->(dim+dim)->conv
    d1 = DIM + DIM
    inp['c1w1'] = lin(next(ks), d1, d1); inp['c1b1'] = jnp.zeros((d1,), jnp.float32)
    inp['c1w2'] = lin(next(ks), d1, d1); inp['c1b2'] = jnp.zeros((d1,), jnp.float32)
    inp['c1w3'] = lin(next(ks), d1, CONV); inp['c1b3'] = jnp.zeros((CONV,), jnp.float32)
    inp['root1'] = lin(next(ks), DIM, CONV); inp['bias1'] = jnp.zeros((CONV,), jnp.float32)
    # batchnorm params
    inp['bn_gamma'] = jnp.ones((CONV,), jnp.float32)
    inp['bn_beta'] = jnp.zeros((CONV,), jnp.float32)
    # conv2 message nn: (conv+dim)->(conv+dim)->(conv+dim)->NC
    d2 = CONV + DIM
    inp['c2w1'] = lin(next(ks), d2, d2); inp['c2b1'] = jnp.zeros((d2,), jnp.float32)
    inp['c2w2'] = lin(next(ks), d2, d2); inp['c2b2'] = jnp.zeros((d2,), jnp.float32)
    inp['c2w3'] = lin(next(ks), d2, NC); inp['c2b3'] = jnp.zeros((NC,), jnp.float32)
    inp['root2'] = lin(next(ks), CONV, NC); inp['bias2'] = jnp.zeros((NC,), jnp.float32)
    # final fc
    inp['Wfc'] = lin(next(ks), CONV + NC, NC); inp['Bfc'] = jnp.zeros((NC,), jnp.float32)
    return inp


def reference(x, edge_index, edge_attr, time_weights,
              Wn1, Bn1, Wn2, Bn2, We1, Be1, We2, Be2, Wt, Bt,
              c1w1, c1b1, c1w2, c1b2, c1w3, c1b3, root1, bias1,
              bn_gamma, bn_beta,
              c2w1, c2b1, c2w2, c2b2, c2w3, c2b3, root2, bias2,
              Wfc, Bfc):
    src = edge_index[0]
    dst = edge_index[1]
    # node encoder
    h = lrelu(x @ Wn1 + Bn1) @ Wn2 + Bn2
    # edge encoder
    ea = lrelu(edge_attr @ We1 + Be1) @ We2 + Be2
    # time weighting
    tw = time_weights @ Wt + Bt
    h = h * tw
    # conv1: gather x_j, concat edge_attr, message nn, scatter-add to dst
    m = jnp.concatenate([jnp.take(h, src, axis=0), ea], axis=1)
    m = lrelu(m @ c1w1 + c1b1)
    m = lrelu(m @ c1w2 + c1b2)
    m = m @ c1w3 + c1b3
    agg = jax.ops.segment_sum(m, dst, num_segments=N)
    out = agg + h @ root1 + bias1
    x1 = jax.nn.relu(out)
    # batchnorm (batch statistics, affine)
    mu = jnp.mean(x1, axis=0)
    var = jnp.var(x1, axis=0)
    x1 = (x1 - mu) / jnp.sqrt(var + 1e-5) * bn_gamma + bn_beta
    # dropout identity (eval mode)
    # conv2
    m2 = jnp.concatenate([jnp.take(x1, src, axis=0), ea], axis=1)
    m2 = lrelu(m2 @ c2w1 + c2b1)
    m2 = lrelu(m2 @ c2w2 + c2b2)
    m2 = m2 @ c2w3 + c2b3
    agg2 = jax.ops.segment_sum(m2, dst, num_segments=N)
    out2 = agg2 + x1 @ root2 + bias2
    x2 = jax.nn.relu(out2)
    xc = jnp.concatenate([x1, x2], axis=1)
    logits = xc @ Wfc + Bfc
    return jax.nn.log_softmax(logits, axis=1)

if __name__ == "__main__":
    import jax
    _d = setup_inputs()
    print(jax.jit(kernel)(*tuple(_d.values())))

</pallas_src>

<mosaic_0001>
#map = affine_map<(d0, d1) -> (0, 0)>
#map1 = affine_map<(d0, d1) -> (0)>
module attributes {stable_mosaic.version = 14 : i64} {
  func.func @k(%arg0: i32, %arg1: i32, %arg2: memref<10000x16xf32, #tpu.memory_space<hbm>>, %arg3: memref<320000xi32, #tpu.memory_space<hbm>>, %arg4: memref<320000x16xf32, #tpu.memory_space<hbm>>, %arg5: memref<5000xi32, #tpu.memory_space<vmem>>, %arg6: memref<5000x16xf32, #tpu.memory_space<vmem>>, %arg7: memref<!tpu.dma_semaphore, #tpu.memory_space<semaphore_mem>>) attributes {dimension_semantics = [#tpu.dimension_semantics<core_parallel>, #tpu.dimension_semantics<subcore_parallel>], iteration_bounds = array<i64: 2, 16>, scalar_prefetch = 0 : i64, scratch_operands = 3 : i64, tpu.core_type = #tpu.core_type<sc_vector_subcore>, window_params = [{transform_indices = #map}, {transform_indices = #map1}, {transform_indices = #map}]} {
    %mul3A = arith.constant 2 : i32
    %mul3A_0 = arith.muli %arg1, %mul3A : i32
    %add3A = arith.addi %mul3A_0, %arg0 : i32
    %mul3A_1 = arith.constant 10000 : i32
    %mul3A_2 = arith.muli %add3A, %mul3A_1 : i32
    %scan3A = arith.constant 0 : i32
    %scan3A_3 = arith.constant 2 : i32
    %scan3A_4 = arith.addi %scan3A, %scan3A_3 : i32
    %scan3A_5 = arith.constant 1 : i32
    scf.for %scan3A_7 = %scan3A to %scan3A_4 step %scan3A_5  : i32 {
      %mul3A_8 = arith.constant 5000 : i32
      %mul3A_9 = arith.muli %scan3A_7, %mul3A_8 : i32
      %add3A_10 = arith.constant 0 : i32
      %add3A_11 = arith.addi %add3A_10, %mul3A_9 : i32
      %add3A_12 = arith.addi %mul3A_2, %add3A_11 : i32
      "tpu.region"() ({
        %run_scoped3A = tpu.sem_alloc : memref<!tpu.dma_semaphore, #tpu.memory_space<semaphore_mem>>
        %dma_start3A_18 = tpu.memref_slice %arg3[%add3A_12] : memref<320000xi32, #tpu.memory_space<hbm>> -> memref<5000xi32, #tpu.memory_space<hbm>>
        %dma_start3A_19 = tpu.memref_slice %arg3[%add3A_12] : memref<320000xi32, #tpu.memory_space<hbm>> -> memref<5000xi32, #tpu.memory_space<hbm>>
        tpu.enqueue_dma source(%dma_start3A_19 : memref<5000xi32, #tpu.memory_space<hbm>>) target(%arg5 : memref<5000xi32, #tpu.memory_space<vmem>>) target_semaphore(%run_scoped3A : memref<!tpu.dma_semaphore, #tpu.memory_space<semaphore_mem>>)
        %dma_wait3A_20 = tpu.memref_slice %arg3[%add3A_12] : memref<320000xi32, #tpu.memory_space<hbm>> -> memref<5000xi32, #tpu.memory_space<hbm>>
        %dma_wait3A_21 = tpu.memref_slice %arg3[%add3A_12] : memref<320000xi32, #tpu.memory_space<hbm>> -> memref<5000xi32, #tpu.memory_space<hbm>>
        tpu.wait_dma2 semaphore(%run_scoped3A : memref<!tpu.dma_semaphore, #tpu.memory_space<semaphore_mem>>) src(%dma_wait3A_21 : memref<5000xi32, #tpu.memory_space<hbm>>) dst(%arg5 : memref<5000xi32, #tpu.memory_space<vmem>>)
        tpu.yield
      }) : () -> ()
      %dma_start3A = arith.constant 0 : i32
      %dma_start3A_13 = arith.constant 0 : i32
      %dma_start3A_14 = tpu.memref_slice %arg2[%dma_start3A, %dma_start3A_13] : memref<10000x16xf32, #tpu.memory_space<hbm>> -> memref<10000x16xf32, #tpu.memory_space<hbm>>
      tpu.enqueue_indirect_dma source(%dma_start3A_14 : memref<10000x16xf32, #tpu.memory_space<hbm>>) target(%arg6 : memref<5000x16xf32, #tpu.memory_space<vmem>>) offsets(%arg5 : memref<5000xi32, #tpu.memory_space<vmem>>) semaphore(%arg7 : memref<!tpu.dma_semaphore, #tpu.memory_space<semaphore_mem>>)
      %dma_wait3A = arith.constant 0 : i32
      %dma_wait3A_15 = arith.constant 0 : i32
      %dma_wait3A_16 = tpu.memref_slice %arg2[%dma_wait3A, %dma_wait3A_15] : memref<10000x16xf32, #tpu.memory_space<hbm>> -> memref<10000x16xf32, #tpu.memory_space<hbm>>
      tpu.wait_indirect_dma semaphore(%arg7 : memref<!tpu.dma_semaphore, #tpu.memory_space<semaphore_mem>>) src(%dma_wait3A_16 : memref<10000x16xf32, #tpu.memory_space<hbm>>) dst(%arg6 : memref<5000x16xf32, #tpu.memory_space<vmem>>)
      %add3A_17 = arith.addi %mul3A_2, %add3A_11 : i32
      "tpu.region"() ({
        %run_scoped3A = tpu.sem_alloc : memref<!tpu.dma_semaphore, #tpu.memory_space<semaphore_mem>>
        %dma_start3A_18 = arith.constant 0 : i32
        %dma_start3A_19 = tpu.memref_slice %arg4[%add3A_17, %dma_start3A_18] : memref<320000x16xf32, #tpu.memory_space<hbm>> -> memref<5000x16xf32, #tpu.memory_space<hbm>>
        %dma_start3A_20 = arith.constant 0 : i32
        %dma_start3A_21 = tpu.memref_slice %arg4[%add3A_17, %dma_start3A_20] : memref<320000x16xf32, #tpu.memory_space<hbm>> -> memref<5000x16xf32, #tpu.memory_space<hbm>>
        tpu.enqueue_dma source(%arg6 : memref<5000x16xf32, #tpu.memory_space<vmem>>) target(%dma_start3A_21 : memref<5000x16xf32, #tpu.memory_space<hbm>>) target_semaphore(%run_scoped3A : memref<!tpu.dma_semaphore, #tpu.memory_space<semaphore_mem>>)
        %dma_wait3A_22 = arith.constant 0 : i32
        %dma_wait3A_23 = tpu.memref_slice %arg4[%add3A_17, %dma_wait3A_22] : memref<320000x16xf32, #tpu.memory_space<hbm>> -> memref<5000x16xf32, #tpu.memory_space<hbm>>
        %dma_wait3A_24 = arith.constant 0 : i32
        %dma_wait3A_25 = tpu.memref_slice %arg4[%add3A_17, %dma_wait3A_24] : memref<320000x16xf32, #tpu.memory_space<hbm>> -> memref<5000x16xf32, #tpu.memory_space<hbm>>
        tpu.wait_dma2 semaphore(%run_scoped3A : memref<!tpu.dma_semaphore, #tpu.memory_space<semaphore_mem>>) src(%arg6 : memref<5000x16xf32, #tpu.memory_space<vmem>>) dst(%dma_wait3A_25 : memref<5000x16xf32, #tpu.memory_space<hbm>>)
        tpu.yield
      }) : () -> ()
    }
    %scan3A_6 = arith.constant 2 : i32
    return
  }
}

#map = affine_map<(d0, d1) -> (0, 0)>
#map1 = affine_map<(d0, d1) -> (0)>
#map2 = affine_map<(d0, d1) -> (0, 0, 0)>
module attributes {stable_mosaic.version = 14 : i64} {
  func.func @k(%arg0: i32, %arg1: i32, %arg2: memref<320000x8xf32, #tpu.memory_space<hbm>>, %arg3: memref<320000xi32, #tpu.memory_space<hbm>>, %arg4: memref<10000x8xf32, #tpu.memory_space<hbm>>, %arg5: memref<2x10000x8xf32, #tpu.memory_space<hbm>>, %arg6: memref<5000xi32, #tpu.memory_space<vmem>>, %arg7: memref<5000x8xf32, #tpu.memory_space<vmem>>, %arg8: memref<10000x8xf32, #tpu.memory_space<vmem_shared>>) attributes {dimension_semantics = [#tpu.dimension_semantics<core_parallel>, #tpu.dimension_semantics<subcore_parallel>], iteration_bounds = array<i64: 2, 16>, scalar_prefetch = 0 : i64, scratch_operands = 3 : i64, tpu.core_type = #tpu.core_type<sc_vector_subcore>, window_params = [{transform_indices = #map}, {transform_indices = #map1}, {transform_indices = #map}, {transform_indices = #map2}]} {
    %mul3A = arith.constant 2 : i32
    %mul3A_0 = arith.muli %arg1, %mul3A : i32
    %add3A = arith.addi %mul3A_0, %arg0 : i32
    %mul3A_1 = arith.constant 625 : i32
    %mul3A_2 = arith.muli %arg1, %mul3A_1 : i32
    "tpu.region"() ({
      %run_scoped3A = tpu.sem_alloc : memref<!tpu.dma_semaphore, #tpu.memory_space<semaphore_mem>>
      %dma_start3A = arith.constant 0 : i32
      %dma_start3A_10 = tpu.memref_slice %arg8[%mul3A_2, %dma_start3A] : memref<10000x8xf32, #tpu.memory_space<vmem_shared>> -> memref<625x8xf32, #tpu.memory_space<vmem_shared>>
      %dma_start3A_11 = arith.constant 0 : i32
      %dma_start3A_12 = tpu.memref_slice %arg4[%mul3A_2, %dma_start3A_11] : memref<10000x8xf32, #tpu.memory_space<hbm>> -> memref<625x8xf32, #tpu.memory_space<hbm>>
      tpu.enqueue_dma source(%dma_start3A_12 : memref<625x8xf32, #tpu.memory_space<hbm>>) target(%dma_start3A_10 : memref<625x8xf32, #tpu.memory_space<vmem_shared>>) target_semaphore(%run_scoped3A : memref<!tpu.dma_semaphore, #tpu.memory_space<semaphore_mem>>)
      %dma_wait3A = arith.constant 0 : i32
      %dma_wait3A_13 = tpu.memref_slice %arg8[%mul3A_2, %dma_wait3A] : memref<10000x8xf32, #tpu.memory_space<vmem_shared>> -> memref<625x8xf32, #tpu.memory_space<vmem_shared>>
      %dma_wait3A_14 = arith.constant 0 : i32
      %dma_wait3A_15 = tpu.memref_slice %arg4[%mul3A_2, %dma_wait3A_14] : memref<10000x8xf32, #tpu.memory_space<hbm>> -> memref<625x8xf32, #tpu.memory_space<hbm>>
      tpu.wait_dma2 semaphore(%run_scoped3A : memref<!tpu.dma_semaphore, #tpu.memory_space<semaphore_mem>>) src(%dma_wait3A_15 : memref<625x8xf32, #tpu.memory_space<hbm>>) dst(%dma_wait3A_13 : memref<625x8xf32, #tpu.memory_space<vmem_shared>>)
      tpu.yield
    }) : () -> ()
    %barrier3A = arith.constant 0 : index
    tpu.barrier barrier_id(%barrier3A)
    %mul3A_3 = arith.constant 10000 : i32
    %mul3A_4 = arith.muli %add3A, %mul3A_3 : i32
    %scan3A = arith.constant 0 : i32
    %scan3A_5 = arith.constant 2 : i32
    %scan3A_6 = arith.addi %scan3A, %scan3A_5 : i32
    %scan3A_7 = arith.constant 1 : i32
    scf.for %scan3A_10 = %scan3A to %scan3A_6 step %scan3A_7  : i32 {
      %mul3A_11 = arith.constant 5000 : i32
      %mul3A_12 = arith.muli %scan3A_10, %mul3A_11 : i32
      %add3A_13 = arith.constant 0 : i32
      %add3A_14 = arith.addi %add3A_13, %mul3A_12 : i32
      %add3A_15 = arith.addi %mul3A_4, %add3A_14 : i32
      "tpu.region"() ({
        %run_scoped3A = tpu.sem_alloc : memref<!tpu.dma_semaphore, #tpu.memory_space<semaphore_mem>>
        %dma_start3A = tpu.memref_slice %arg3[%add3A_15] : memref<320000xi32, #tpu.memory_space<hbm>> -> memref<5000xi32, #tpu.memory_space<hbm>>
        %dma_start3A_17 = tpu.memref_slice %arg3[%add3A_15] : memref<320000xi32, #tpu.memory_space<hbm>> -> memref<5000xi32, #tpu.memory_space<hbm>>
        tpu.enqueue_dma source(%dma_start3A_17 : memref<5000xi32, #tpu.memory_space<hbm>>) target(%arg6 : memref<5000xi32, #tpu.memory_space<vmem>>) target_semaphore(%run_scoped3A : memref<!tpu.dma_semaphore, #tpu.memory_space<semaphore_mem>>)
        %dma_wait3A = tpu.memref_slice %arg3[%add3A_15] : memref<320000xi32, #tpu.memory_space<hbm>> -> memref<5000xi32, #tpu.memory_space<hbm>>
        %dma_wait3A_18 = tpu.memref_slice %arg3[%add3A_15] : memref<320000xi32, #tpu.memory_space<hbm>> -> memref<5000xi32, #tpu.memory_space<hbm>>
        tpu.wait_dma2 semaphore(%run_scoped3A : memref<!tpu.dma_semaphore, #tpu.memory_space<semaphore_mem>>) src(%dma_wait3A_18 : memref<5000xi32, #tpu.memory_space<hbm>>) dst(%arg6 : memref<5000xi32, #tpu.memory_space<vmem>>)
        tpu.yield
      }) : () -> ()
      %add3A_16 = arith.addi %mul3A_4, %add3A_14 : i32
      "tpu.region"() ({
        %run_scoped3A = tpu.sem_alloc : memref<!tpu.dma_semaphore, #tpu.memory_space<semaphore_mem>>
        %dma_start3A = arith.constant 0 : i32
        %dma_start3A_17 = tpu.memref_slice %arg2[%add3A_16, %dma_start3A] : memref<320000x8xf32, #tpu.memory_space<hbm>> -> memref<5000x8xf32, #tpu.memory_space<hbm>>
        %dma_start3A_18 = arith.constant 0 : i32
        %dma_start3A_19 = tpu.memref_slice %arg2[%add3A_16, %dma_start3A_18] : memref<320000x8xf32, #tpu.memory_space<hbm>> -> memref<5000x8xf32, #tpu.memory_space<hbm>>
        tpu.enqueue_dma source(%dma_start3A_19 : memref<5000x8xf32, #tpu.memory_space<hbm>>) target(%arg7 : memref<5000x8xf32, #tpu.memory_space<vmem>>) target_semaphore(%run_scoped3A : memref<!tpu.dma_semaphore, #tpu.memory_space<semaphore_mem>>)
        %dma_wait3A = arith.constant 0 : i32
        %dma_wait3A_20 = tpu.memref_slice %arg2[%add3A_16, %dma_wait3A] : memref<320000x8xf32, #tpu.memory_space<hbm>> -> memref<5000x8xf32, #tpu.memory_space<hbm>>
        %dma_wait3A_21 = arith.constant 0 : i32
        %dma_wait3A_22 = tpu.memref_slice %arg2[%add3A_16, %dma_wait3A_21] : memref<320000x8xf32, #tpu.memory_space<hbm>> -> memref<5000x8xf32, #tpu.memory_space<hbm>>
        tpu.wait_dma2 semaphore(%run_scoped3A : memref<!tpu.dma_semaphore, #tpu.memory_space<semaphore_mem>>) src(%dma_wait3A_22 : memref<5000x8xf32, #tpu.memory_space<hbm>>) dst(%arg7 : memref<5000x8xf32, #tpu.memory_space<vmem>>)
        tpu.yield
      }) : () -> ()
      "tpu.region"() ({
        %run_scoped3A = tpu.sem_alloc : memref<!tpu.dma_semaphore, #tpu.memory_space<semaphore_mem>>
        %dma_start3A = arith.constant 0 : i32
        %dma_start3A_17 = arith.constant 0 : i32
        %dma_start3A_18 = tpu.memref_slice %arg8[%dma_start3A, %dma_start3A_17] : memref<10000x8xf32, #tpu.memory_space<vmem_shared>> -> memref<10000x8xf32, #tpu.memory_space<vmem_shared>>
        tpu.enqueue_indirect_dma source(%arg7 : memref<5000x8xf32, #tpu.memory_space<vmem>>) target(%dma_start3A_18 : memref<10000x8xf32, #tpu.memory_space<vmem_shared>>) offsets(%arg6 : memref<5000xi32, #tpu.memory_space<vmem>>) semaphore(%run_scoped3A : memref<!tpu.dma_semaphore, #tpu.memory_space<semaphore_mem>>) {add = true}
        %dma_wait3A = arith.constant 0 : i32
        %dma_wait3A_19 = arith.constant 0 : i32
        %dma_wait3A_20 = tpu.memref_slice %arg8[%dma_wait3A, %dma_wait3A_19] : memref<10000x8xf32, #tpu.memory_space<vmem_shared>> -> memref<10000x8xf32, #tpu.memory_space<vmem_shared>>
        tpu.wait_indirect_dma semaphore(%run_scoped3A : memref<!tpu.dma_semaphore, #tpu.memory_space<semaphore_mem>>) src(%arg7 : memref<5000x8xf32, #tpu.memory_space<vmem>>) dst(%dma_wait3A_20 : memref<10000x8xf32, #tpu.memory_space<vmem_shared>>)
        tpu.yield
      }) : () -> ()
    }
    %scan3A_8 = arith.constant 2 : i32
    %barrier3A_9 = arith.constant 0 : index
    tpu.barrier barrier_id(%barrier3A_9)
    "tpu.region"() ({
      %run_scoped3A = tpu.sem_alloc : memref<!tpu.dma_semaphore, #tpu.memory_space<semaphore_mem>>
      %dma_start3A = arith.constant 0 : i32
      %dma_start3A_10 = tpu.memref_slice %arg5[%arg0, %mul3A_2, %dma_start3A] : memref<2x10000x8xf32, #tpu.memory_space<hbm>> -> memref<1x625x8xf32, #tpu.memory_space<hbm>>
      %dma_start3A_11 = tpu.memref_squeeze %dma_start3A_10 : memref<1x625x8xf32, #tpu.memory_space<hbm>> -> memref<625x8xf32, #tpu.memory_space<hbm>>
      %dma_start3A_12 = arith.constant 0 : i32
      %dma_start3A_13 = tpu.memref_slice %arg8[%mul3A_2, %dma_start3A_12] : memref<10000x8xf32, #tpu.memory_space<vmem_shared>> -> memref<625x8xf32, #tpu.memory_space<vmem_shared>>
      tpu.enqueue_dma source(%dma_start3A_13 : memref<625x8xf32, #tpu.memory_space<vmem_shared>>) target(%dma_start3A_11 : memref<625x8xf32, #tpu.memory_space<hbm>>) target_semaphore(%run_scoped3A : memref<!tpu.dma_semaphore, #tpu.memory_space<semaphore_mem>>)
      %dma_wait3A = arith.constant 0 : i32
      %dma_wait3A_14 = tpu.memref_slice %arg5[%arg0, %mul3A_2, %dma_wait3A] : memref<2x10000x8xf32, #tpu.memory_space<hbm>> -> memref<1x625x8xf32, #tpu.memory_space<hbm>>
      %dma_wait3A_15 = tpu.memref_squeeze %dma_wait3A_14 : memref<1x625x8xf32, #tpu.memory_space<hbm>> -> memref<625x8xf32, #tpu.memory_space<hbm>>
      %dma_wait3A_16 = arith.constant 0 : i32
      %dma_wait3A_17 = tpu.memref_slice %arg8[%mul3A_2, %dma_wait3A_16] : memref<10000x8xf32, #tpu.memory_space<vmem_shared>> -> memref<625x8xf32, #tpu.memory_space<vmem_shared>>
      tpu.wait_dma2 semaphore(%run_scoped3A : memref<!tpu.dma_semaphore, #tpu.memory_space<semaphore_mem>>) src(%dma_wait3A_17 : memref<625x8xf32, #tpu.memory_space<vmem_shared>>) dst(%dma_wait3A_15 : memref<625x8xf32, #tpu.memory_space<hbm>>)
      tpu.yield
    }) : () -> ()
    return
  }
}

#map = affine_map<(d0, d1) -> (0, 0)>
#map1 = affine_map<(d0, d1) -> (0)>
module attributes {stable_mosaic.version = 14 : i64} {
  func.func @k(%arg0: i32, %arg1: i32, %arg2: memref<10000x8xf32, #tpu.memory_space<hbm>>, %arg3: memref<320000xi32, #tpu.memory_space<hbm>>, %arg4: memref<320000x8xf32, #tpu.memory_space<hbm>>, %arg5: memref<5000xi32, #tpu.memory_space<vmem>>, %arg6: memref<5000x8xf32, #tpu.memory_space<vmem>>, %arg7: memref<!tpu.dma_semaphore, #tpu.memory_space<semaphore_mem>>) attributes {dimension_semantics = [#tpu.dimension_semantics<core_parallel>, #tpu.dimension_semantics<subcore_parallel>], iteration_bounds = array<i64: 2, 16>, scalar_prefetch = 0 : i64, scratch_operands = 3 : i64, tpu.core_type = #tpu.core_type<sc_vector_subcore>, window_params = [{transform_indices = #map}, {transform_indices = #map1}, {transform_indices = #map}]} {
    %mul3A = arith.constant 2 : i32
    %mul3A_0 = arith.muli %arg1, %mul3A : i32
    %add3A = arith.addi %mul3A_0, %arg0 : i32
    %mul3A_1 = arith.constant 10000 : i32
    %mul3A_2 = arith.muli %add3A, %mul3A_1 : i32
    %scan3A = arith.constant 0 : i32
    %scan3A_3 = arith.constant 2 : i32
    %scan3A_4 = arith.addi %scan3A, %scan3A_3 : i32
    %scan3A_5 = arith.constant 1 : i32
    scf.for %scan3A_7 = %scan3A to %scan3A_4 step %scan3A_5  : i32 {
      %mul3A_8 = arith.constant 5000 : i32
      %mul3A_9 = arith.muli %scan3A_7, %mul3A_8 : i32
      %add3A_10 = arith.constant 0 : i32
      %add3A_11 = arith.addi %add3A_10, %mul3A_9 : i32
      %add3A_12 = arith.addi %mul3A_2, %add3A_11 : i32
      "tpu.region"() ({
        %run_scoped3A = tpu.sem_alloc : memref<!tpu.dma_semaphore, #tpu.memory_space<semaphore_mem>>
        %dma_start3A_18 = tpu.memref_slice %arg3[%add3A_12] : memref<320000xi32, #tpu.memory_space<hbm>> -> memref<5000xi32, #tpu.memory_space<hbm>>
        %dma_start3A_19 = tpu.memref_slice %arg3[%add3A_12] : memref<320000xi32, #tpu.memory_space<hbm>> -> memref<5000xi32, #tpu.memory_space<hbm>>
        tpu.enqueue_dma source(%dma_start3A_19 : memref<5000xi32, #tpu.memory_space<hbm>>) target(%arg5 : memref<5000xi32, #tpu.memory_space<vmem>>) target_semaphore(%run_scoped3A : memref<!tpu.dma_semaphore, #tpu.memory_space<semaphore_mem>>)
        %dma_wait3A_20 = tpu.memref_slice %arg3[%add3A_12] : memref<320000xi32, #tpu.memory_space<hbm>> -> memref<5000xi32, #tpu.memory_space<hbm>>
        %dma_wait3A_21 = tpu.memref_slice %arg3[%add3A_12] : memref<320000xi32, #tpu.memory_space<hbm>> -> memref<5000xi32, #tpu.memory_space<hbm>>
        tpu.wait_dma2 semaphore(%run_scoped3A : memref<!tpu.dma_semaphore, #tpu.memory_space<semaphore_mem>>) src(%dma_wait3A_21 : memref<5000xi32, #tpu.memory_space<hbm>>) dst(%arg5 : memref<5000xi32, #tpu.memory_space<vmem>>)
        tpu.yield
      }) : () -> ()
      %dma_start3A = arith.constant 0 : i32
      %dma_start3A_13 = arith.constant 0 : i32
      %dma_start3A_14 = tpu.memref_slice %arg2[%dma_start3A, %dma_start3A_13] : memref<10000x8xf32, #tpu.memory_space<hbm>> -> memref<10000x8xf32, #tpu.memory_space<hbm>>
      tpu.enqueue_indirect_dma source(%dma_start3A_14 : memref<10000x8xf32, #tpu.memory_space<hbm>>) target(%arg6 : memref<5000x8xf32, #tpu.memory_space<vmem>>) offsets(%arg5 : memref<5000xi32, #tpu.memory_space<vmem>>) semaphore(%arg7 : memref<!tpu.dma_semaphore, #tpu.memory_space<semaphore_mem>>)
      %dma_wait3A = arith.constant 0 : i32
      %dma_wait3A_15 = arith.constant 0 : i32
      %dma_wait3A_16 = tpu.memref_slice %arg2[%dma_wait3A, %dma_wait3A_15] : memref<10000x8xf32, #tpu.memory_space<hbm>> -> memref<10000x8xf32, #tpu.memory_space<hbm>>
      tpu.wait_indirect_dma semaphore(%arg7 : memref<!tpu.dma_semaphore, #tpu.memory_space<semaphore_mem>>) src(%dma_wait3A_16 : memref<10000x8xf32, #tpu.memory_space<hbm>>) dst(%arg6 : memref<5000x8xf32, #tpu.memory_space<vmem>>)
      %add3A_17 = arith.addi %mul3A_2, %add3A_11 : i32
      "tpu.region"() ({
        %run_scoped3A = tpu.sem_alloc : memref<!tpu.dma_semaphore, #tpu.memory_space<semaphore_mem>>
        %dma_start3A_18 = arith.constant 0 : i32
        %dma_start3A_19 = tpu.memref_slice %arg4[%add3A_17, %dma_start3A_18] : memref<320000x8xf32, #tpu.memory_space<hbm>> -> memref<5000x8xf32, #tpu.memory_space<hbm>>
        %dma_start3A_20 = arith.constant 0 : i32
        %dma_start3A_21 = tpu.memref_slice %arg4[%add3A_17, %dma_start3A_20] : memref<320000x8xf32, #tpu.memory_space<hbm>> -> memref<5000x8xf32, #tpu.memory_space<hbm>>
        tpu.enqueue_dma source(%arg6 : memref<5000x8xf32, #tpu.memory_space<vmem>>) target(%dma_start3A_21 : memref<5000x8xf32, #tpu.memory_space<hbm>>) target_semaphore(%run_scoped3A : memref<!tpu.dma_semaphore, #tpu.memory_space<semaphore_mem>>)
        %dma_wait3A_22 = arith.constant 0 : i32
        %dma_wait3A_23 = tpu.memref_slice %arg4[%add3A_17, %dma_wait3A_22] : memref<320000x8xf32, #tpu.memory_space<hbm>> -> memref<5000x8xf32, #tpu.memory_space<hbm>>
        %dma_wait3A_24 = arith.constant 0 : i32
        %dma_wait3A_25 = tpu.memref_slice %arg4[%add3A_17, %dma_wait3A_24] : memref<320000x8xf32, #tpu.memory_space<hbm>> -> memref<5000x8xf32, #tpu.memory_space<hbm>>
        tpu.wait_dma2 semaphore(%run_scoped3A : memref<!tpu.dma_semaphore, #tpu.memory_space<semaphore_mem>>) src(%arg6 : memref<5000x8xf32, #tpu.memory_space<vmem>>) dst(%dma_wait3A_25 : memref<5000x8xf32, #tpu.memory_space<hbm>>)
        tpu.yield
      }) : () -> ()
    }
    %scan3A_6 = arith.constant 2 : i32
    return
  }
}

#map = affine_map<(d0, d1) -> (0, 0)>
#map1 = affine_map<(d0, d1) -> (0)>
#map2 = affine_map<(d0, d1) -> (0, 0, 0)>
module attributes {stable_mosaic.version = 14 : i64} {
  func.func @k(%arg0: i32, %arg1: i32, %arg2: memref<320000x16xf32, #tpu.memory_space<hbm>>, %arg3: memref<320000xi32, #tpu.memory_space<hbm>>, %arg4: memref<10000x16xf32, #tpu.memory_space<hbm>>, %arg5: memref<2x10000x16xf32, #tpu.memory_space<hbm>>, %arg6: memref<5000xi32, #tpu.memory_space<vmem>>, %arg7: memref<5000x16xf32, #tpu.memory_space<vmem>>, %arg8: memref<10000x16xf32, #tpu.memory_space<vmem_shared>>) attributes {dimension_semantics = [#tpu.dimension_semantics<core_parallel>, #tpu.dimension_semantics<subcore_parallel>], iteration_bounds = array<i64: 2, 16>, scalar_prefetch = 0 : i64, scratch_operands = 3 : i64, tpu.core_type = #tpu.core_type<sc_vector_subcore>, window_params = [{transform_indices = #map}, {transform_indices = #map1}, {transform_indices = #map}, {transform_indices = #map2}]} {
    %mul3A = arith.constant 2 : i32
    %mul3A_0 = arith.muli %arg1, %mul3A : i32
    %add3A = arith.addi %mul3A_0, %arg0 : i32
    %mul3A_1 = arith.constant 625 : i32
    %mul3A_2 = arith.muli %arg1, %mul3A_1 : i32
    "tpu.region"() ({
      %run_scoped3A = tpu.sem_alloc : memref<!tpu.dma_semaphore, #tpu.memory_space<semaphore_mem>>
      %dma_start3A = arith.constant 0 : i32
      %dma_start3A_10 = tpu.memref_slice %arg8[%mul3A_2, %dma_start3A] : memref<10000x16xf32, #tpu.memory_space<vmem_shared>> -> memref<625x16xf32, #tpu.memory_space<vmem_shared>>
      %dma_start3A_11 = arith.constant 0 : i32
      %dma_start3A_12 = tpu.memref_slice %arg4[%mul3A_2, %dma_start3A_11] : memref<10000x16xf32, #tpu.memory_space<hbm>> -> memref<625x16xf32, #tpu.memory_space<hbm>>
      tpu.enqueue_dma source(%dma_start3A_12 : memref<625x16xf32, #tpu.memory_space<hbm>>) target(%dma_start3A_10 : memref<625x16xf32, #tpu.memory_space<vmem_shared>>) target_semaphore(%run_scoped3A : memref<!tpu.dma_semaphore, #tpu.memory_space<semaphore_mem>>)
      %dma_wait3A = arith.constant 0 : i32
      %dma_wait3A_13 = tpu.memref_slice %arg8[%mul3A_2, %dma_wait3A] : memref<10000x16xf32, #tpu.memory_space<vmem_shared>> -> memref<625x16xf32, #tpu.memory_space<vmem_shared>>
      %dma_wait3A_14 = arith.constant 0 : i32
      %dma_wait3A_15 = tpu.memref_slice %arg4[%mul3A_2, %dma_wait3A_14] : memref<10000x16xf32, #tpu.memory_space<hbm>> -> memref<625x16xf32, #tpu.memory_space<hbm>>
      tpu.wait_dma2 semaphore(%run_scoped3A : memref<!tpu.dma_semaphore, #tpu.memory_space<semaphore_mem>>) src(%dma_wait3A_15 : memref<625x16xf32, #tpu.memory_space<hbm>>) dst(%dma_wait3A_13 : memref<625x16xf32, #tpu.memory_space<vmem_shared>>)
      tpu.yield
    }) : () -> ()
    %barrier3A = arith.constant 0 : index
    tpu.barrier barrier_id(%barrier3A)
    %mul3A_3 = arith.constant 10000 : i32
    %mul3A_4 = arith.muli %add3A, %mul3A_3 : i32
    %scan3A = arith.constant 0 : i32
    %scan3A_5 = arith.constant 2 : i32
    %scan3A_6 = arith.addi %scan3A, %scan3A_5 : i32
    %scan3A_7 = arith.constant 1 : i32
    scf.for %scan3A_10 = %scan3A to %scan3A_6 step %scan3A_7  : i32 {
      %mul3A_11 = arith.constant 5000 : i32
      %mul3A_12 = arith.muli %scan3A_10, %mul3A_11 : i32
      %add3A_13 = arith.constant 0 : i32
      %add3A_14 = arith.addi %add3A_13, %mul3A_12 : i32
      %add3A_15 = arith.addi %mul3A_4, %add3A_14 : i32
      "tpu.region"() ({
        %run_scoped3A = tpu.sem_alloc : memref<!tpu.dma_semaphore, #tpu.memory_space<semaphore_mem>>
        %dma_start3A = tpu.memref_slice %arg3[%add3A_15] : memref<320000xi32, #tpu.memory_space<hbm>> -> memref<5000xi32, #tpu.memory_space<hbm>>
        %dma_start3A_17 = tpu.memref_slice %arg3[%add3A_15] : memref<320000xi32, #tpu.memory_space<hbm>> -> memref<5000xi32, #tpu.memory_space<hbm>>
        tpu.enqueue_dma source(%dma_start3A_17 : memref<5000xi32, #tpu.memory_space<hbm>>) target(%arg6 : memref<5000xi32, #tpu.memory_space<vmem>>) target_semaphore(%run_scoped3A : memref<!tpu.dma_semaphore, #tpu.memory_space<semaphore_mem>>)
        %dma_wait3A = tpu.memref_slice %arg3[%add3A_15] : memref<320000xi32, #tpu.memory_space<hbm>> -> memref<5000xi32, #tpu.memory_space<hbm>>
        %dma_wait3A_18 = tpu.memref_slice %arg3[%add3A_15] : memref<320000xi32, #tpu.memory_space<hbm>> -> memref<5000xi32, #tpu.memory_space<hbm>>
        tpu.wait_dma2 semaphore(%run_scoped3A : memref<!tpu.dma_semaphore, #tpu.memory_space<semaphore_mem>>) src(%dma_wait3A_18 : memref<5000xi32, #tpu.memory_space<hbm>>) dst(%arg6 : memref<5000xi32, #tpu.memory_space<vmem>>)
        tpu.yield
      }) : () -> ()
      %add3A_16 = arith.addi %mul3A_4, %add3A_14 : i32
      "tpu.region"() ({
        %run_scoped3A = tpu.sem_alloc : memref<!tpu.dma_semaphore, #tpu.memory_space<semaphore_mem>>
        %dma_start3A = arith.constant 0 : i32
        %dma_start3A_17 = tpu.memref_slice %arg2[%add3A_16, %dma_start3A] : memref<320000x16xf32, #tpu.memory_space<hbm>> -> memref<5000x16xf32, #tpu.memory_space<hbm>>
        %dma_start3A_18 = arith.constant 0 : i32
        %dma_start3A_19 = tpu.memref_slice %arg2[%add3A_16, %dma_start3A_18] : memref<320000x16xf32, #tpu.memory_space<hbm>> -> memref<5000x16xf32, #tpu.memory_space<hbm>>
        tpu.enqueue_dma source(%dma_start3A_19 : memref<5000x16xf32, #tpu.memory_space<hbm>>) target(%arg7 : memref<5000x16xf32, #tpu.memory_space<vmem>>) target_semaphore(%run_scoped3A : memref<!tpu.dma_semaphore, #tpu.memory_space<semaphore_mem>>)
        %dma_wait3A = arith.constant 0 : i32
        %dma_wait3A_20 = tpu.memref_slice %arg2[%add3A_16, %dma_wait3A] : memref<320000x16xf32, #tpu.memory_space<hbm>> -> memref<5000x16xf32, #tpu.memory_space<hbm>>
        %dma_wait3A_21 = arith.constant 0 : i32
        %dma_wait3A_22 = tpu.memref_slice %arg2[%add3A_16, %dma_wait3A_21] : memref<320000x16xf32, #tpu.memory_space<hbm>> -> memref<5000x16xf32, #tpu.memory_space<hbm>>
        tpu.wait_dma2 semaphore(%run_scoped3A : memref<!tpu.dma_semaphore, #tpu.memory_space<semaphore_mem>>) src(%dma_wait3A_22 : memref<5000x16xf32, #tpu.memory_space<hbm>>) dst(%arg7 : memref<5000x16xf32, #tpu.memory_space<vmem>>)
        tpu.yield
      }) : () -> ()
      "tpu.region"() ({
        %run_scoped3A = tpu.sem_alloc : memref<!tpu.dma_semaphore, #tpu.memory_space<semaphore_mem>>
        %dma_start3A = arith.constant 0 : i32
        %dma_start3A_17 = arith.constant 0 : i32
        %dma_start3A_18 = tpu.memref_slice %arg8[%dma_start3A, %dma_start3A_17] : memref<10000x16xf32, #tpu.memory_space<vmem_shared>> -> memref<10000x16xf32, #tpu.memory_space<vmem_shared>>
        tpu.enqueue_indirect_dma source(%arg7 : memref<5000x16xf32, #tpu.memory_space<vmem>>) target(%dma_start3A_18 : memref<10000x16xf32, #tpu.memory_space<vmem_shared>>) offsets(%arg6 : memref<5000xi32, #tpu.memory_space<vmem>>) semaphore(%run_scoped3A : memref<!tpu.dma_semaphore, #tpu.memory_space<semaphore_mem>>) {add = true}
        %dma_wait3A = arith.constant 0 : i32
        %dma_wait3A_19 = arith.constant 0 : i32
        %dma_wait3A_20 = tpu.memref_slice %arg8[%dma_wait3A, %dma_wait3A_19] : memref<10000x16xf32, #tpu.memory_space<vmem_shared>> -> memref<10000x16xf32, #tpu.memory_space<vmem_shared>>
        tpu.wait_indirect_dma semaphore(%run_scoped3A : memref<!tpu.dma_semaphore, #tpu.memory_space<semaphore_mem>>) src(%arg7 : memref<5000x16xf32, #tpu.memory_space<vmem>>) dst(%dma_wait3A_20 : memref<10000x16xf32, #tpu.memory_space<vmem_shared>>)
        tpu.yield
      }) : () -> ()
    }
    %scan3A_8 = arith.constant 2 : i32
    %barrier3A_9 = arith.constant 0 : index
    tpu.barrier barrier_id(%barrier3A_9)
    "tpu.region"() ({
      %run_scoped3A = tpu.sem_alloc : memref<!tpu.dma_semaphore, #tpu.memory_space<semaphore_mem>>
      %dma_start3A = arith.constant 0 : i32
      %dma_start3A_10 = tpu.memref_slice %arg5[%arg0, %mul3A_2, %dma_start3A] : memref<2x10000x16xf32, #tpu.memory_space<hbm>> -> memref<1x625x16xf32, #tpu.memory_space<hbm>>
      %dma_start3A_11 = tpu.memref_squeeze %dma_start3A_10 : memref<1x625x16xf32, #tpu.memory_space<hbm>> -> memref<625x16xf32, #tpu.memory_space<hbm>>
      %dma_start3A_12 = arith.constant 0 : i32
      %dma_start3A_13 = tpu.memref_slice %arg8[%mul3A_2, %dma_start3A_12] : memref<10000x16xf32, #tpu.memory_space<vmem_shared>> -> memref<625x16xf32, #tpu.memory_space<vmem_shared>>
      tpu.enqueue_dma source(%dma_start3A_13 : memref<625x16xf32, #tpu.memory_space<vmem_shared>>) target(%dma_start3A_11 : memref<625x16xf32, #tpu.memory_space<hbm>>) target_semaphore(%run_scoped3A : memref<!tpu.dma_semaphore, #tpu.memory_space<semaphore_mem>>)
      %dma_wait3A = arith.constant 0 : i32
      %dma_wait3A_14 = tpu.memref_slice %arg5[%arg0, %mul3A_2, %dma_wait3A] : memref<2x10000x16xf32, #tpu.memory_space<hbm>> -> memref<1x625x16xf32, #tpu.memory_space<hbm>>
      %dma_wait3A_15 = tpu.memref_squeeze %dma_wait3A_14 : memref<1x625x16xf32, #tpu.memory_space<hbm>> -> memref<625x16xf32, #tpu.memory_space<hbm>>
      %dma_wait3A_16 = arith.constant 0 : i32
      %dma_wait3A_17 = tpu.memref_slice %arg8[%mul3A_2, %dma_wait3A_16] : memref<10000x16xf32, #tpu.memory_space<vmem_shared>> -> memref<625x16xf32, #tpu.memory_space<vmem_shared>>
      tpu.wait_dma2 semaphore(%run_scoped3A : memref<!tpu.dma_semaphore, #tpu.memory_space<semaphore_mem>>) src(%dma_wait3A_17 : memref<625x16xf32, #tpu.memory_space<vmem_shared>>) dst(%dma_wait3A_15 : memref<625x16xf32, #tpu.memory_space<hbm>>)
      tpu.yield
    }) : () -> ()
    return
  }
}

module attributes {stable_mosaic.version = 14 : i64} {
  func.func @body(%arg0: i32, %arg1: memref<2000x128xf32, #tpu.memory_space<vmem>>, %arg2: memref<2000x1xf32, #tpu.memory_space<vmem>>, %arg3: memref<128x16xf32, #tpu.memory_space<vmem>>, %arg4: memref<1x16xf32, #tpu.memory_space<vmem>>, %arg5: memref<16x16xf32, #tpu.memory_space<vmem>>, %arg6: memref<1x16xf32, #tpu.memory_space<vmem>>, %arg7: memref<1x16xf32, #tpu.memory_space<vmem>>, %arg8: memref<1x16xf32, #tpu.memory_space<vmem>>, %arg9: memref<2000x16xf32, #tpu.memory_space<vmem>>) attributes {dimension_semantics = [#tpu.dimension_semantics<arbitrary>], iteration_bounds = array<i64: 5>, scalar_prefetch = 0 : i64, scratch_operands = 0 : i64, tpu.core_type = #tpu.core_type<tc>, window_params = [{transform_indices = @transform_0, window_bounds = array<i64: 2000, 128>}, {transform_indices = @transform_1, window_bounds = array<i64: 2000, 1>}, {pipeline_mode = #tpu.pipeline_mode<synchronous>, transform_indices = @transform_2, window_bounds = array<i64: 128, 16>}, {pipeline_mode = #tpu.pipeline_mode<synchronous>, transform_indices = @transform_3, window_bounds = array<i64: 1, 16>}, {pipeline_mode = #tpu.pipeline_mode<synchronous>, transform_indices = @transform_4, window_bounds = array<i64: 16, 16>}, {pipeline_mode = #tpu.pipeline_mode<synchronous>, transform_indices = @transform_5, window_bounds = array<i64: 1, 16>}, {pipeline_mode = #tpu.pipeline_mode<synchronous>, transform_indices = @transform_6, window_bounds = array<i64: 1, 16>}, {pipeline_mode = #tpu.pipeline_mode<synchronous>, transform_indices = @transform_7, window_bounds = array<i64: 1, 16>}, {transform_indices = @transform_8, window_bounds = array<i64: 2000, 16>}]} {
    %get3A = arith.constant 0 : index
    %get3A_0 = arith.constant 0 : index
    %get3A_1 = vector.load %arg1[%get3A, %get3A_0] : memref<2000x128xf32, #tpu.memory_space<vmem>>, vector<2000x128xf32>
    %get3A_2 = arith.constant 0 : index
    %get3A_3 = arith.constant 0 : index
    %get3A_4 = vector.load %arg3[%get3A_2, %get3A_3] : memref<128x16xf32, #tpu.memory_space<vmem>>, vector<128x16xf32>
    %convert_element_type3A = arith.truncf %get3A_1 : vector<2000x128xf32> to vector<2000x128xbf16>
    %convert_element_type3A_5 = arith.truncf %get3A_4 : vector<128x16xf32> to vector<128x16xbf16>
    %dot_general3A = arith.constant dense<0.000000e+00> : vector<2000x16xf32>
    %dot_general3A_6 = tpu.matmul %convert_element_type3A, %convert_element_type3A_5, %dot_general3A {dimension_numbers = #tpu.dot_dimension_numbers<[1], [0], [0], [1], [0, 0, 1, 1], [], []>, transpose_lhs_hint = false} : vector<2000x128xbf16>, vector<128x16xbf16>, vector<2000x16xf32> -> vector<2000x16xf32>
    %get3A_7 = arith.constant 0 : index
    %get3A_8 = arith.constant 0 : index
    %get3A_9 = vector.load %arg4[%get3A_7, %get3A_8] : memref<1x16xf32, #tpu.memory_space<vmem>>, vector<1x16xf32>
    %add3A = vector.broadcast %get3A_9 : vector<1x16xf32> to vector<2000x16xf32>
    %add3A_10 = arith.addf %dot_general3A_6, %add3A : vector<2000x16xf32>
    %gt3A = arith.constant 0.000000e+00 : f32
    %gt3A_11 = vector.broadcast %gt3A : f32 to vector<2000x16xf32>
    %gt3A_12 = arith.cmpf ogt, %add3A_10, %gt3A_11 : vector<2000x16xf32>
    %mul3A = arith.constant 0.00999999977 : f32
    %mul3A_13 = vector.broadcast %mul3A : f32 to vector<2000x16xf32>
    %mul3A_14 = arith.mulf %mul3A_13, %add3A_10 : vector<2000x16xf32>
    %select_n3A = arith.select %gt3A_12, %add3A_10, %mul3A_14 : vector<2000x16xi1>, vector<2000x16xf32>
    %get3A_15 = arith.constant 0 : index
    %get3A_16 = arith.constant 0 : index
    %get3A_17 = vector.load %arg5[%get3A_15, %get3A_16] : memref<16x16xf32, #tpu.memory_space<vmem>>, vector<16x16xf32>
    %convert_element_type3A_18 = arith.truncf %select_n3A : vector<2000x16xf32> to vector<2000x16xbf16>
    %convert_element_type3A_19 = arith.truncf %get3A_17 : vector<16x16xf32> to vector<16x16xbf16>
    %dot_general3A_20 = arith.constant dense<0.000000e+00> : vector<2000x16xf32>
    %dot_general3A_21 = tpu.matmul %convert_element_type3A_18, %convert_element_type3A_19, %dot_general3A_20 {dimension_numbers = #tpu.dot_dimension_numbers<[1], [0], [0], [1], [0, 0, 1, 1], [], []>, transpose_lhs_hint = false} : vector<2000x16xbf16>, vector<16x16xbf16>, vector<2000x16xf32> -> vector<2000x16xf32>
    %get3A_22 = arith.constant 0 : index
    %get3A_23 = arith.constant 0 : index
    %get3A_24 = vector.load %arg6[%get3A_22, %get3A_23] : memref<1x16xf32, #tpu.memory_space<vmem>>, vector<1x16xf32>
    %add3A_25 = vector.broadcast %get3A_24 : vector<1x16xf32> to vector<2000x16xf32>
    %add3A_26 = arith.addf %dot_general3A_21, %add3A_25 : vector<2000x16xf32>
    %get3A_27 = arith.constant 0 : index
    %get3A_28 = arith.constant 0 : index
    %get3A_29 = vector.load %arg2[%get3A_27, %get3A_28] : memref<2000x1xf32, #tpu.memory_space<vmem>>, vector<2000x1xf32>
    %get3A_30 = arith.constant 0 : index
    %get3A_31 = arith.constant 0 : index
    %get3A_32 = vector.load %arg7[%get3A_30, %get3A_31] : memref<1x16xf32, #tpu.memory_space<vmem>>, vector<1x16xf32>
    %mul3A_33 = vector.broadcast %get3A_29 : vector<2000x1xf32> to vector<2000x16xf32>
    %mul3A_34 = vector.broadcast %get3A_32 : vector<1x16xf32> to vector<2000x16xf32>
    %mul3A_35 = arith.mulf %mul3A_33, %mul3A_34 : vector<2000x16xf32>
    %get3A_36 = arith.constant 0 : index
    %get3A_37 = arith.constant 0 : index
    %get3A_38 = vector.load %arg8[%get3A_36, %get3A_37] : memref<1x16xf32, #tpu.memory_space<vmem>>, vector<1x16xf32>
    %add3A_39 = vector.broadcast %get3A_38 : vector<1x16xf32> to vector<2000x16xf32>
    %add3A_40 = arith.addf %mul3A_35, %add3A_39 : vector<2000x16xf32>
    %mul3A_41 = arith.mulf %add3A_26, %add3A_40 : vector<2000x16xf32>
    %swap3A = arith.constant 0 : index
    %swap3A_42 = arith.constant 0 : index
    %swap3A_43 = vector.load %arg9[%swap3A, %swap3A_42] : memref<2000x16xf32, #tpu.memory_space<vmem>>, vector<2000x16xf32>
    tpu.vector_store %arg9[%swap3A, %swap3A_42], %mul3A_41 {strides = array<i32>} : memref<2000x16xf32, #tpu.memory_space<vmem>>, vector<2000x16xf32>,
    return
  }
  func.func @transform_0(%arg0: i32) -> (i32, i32) {
    %c0_i32 = arith.constant 0 : i32
    %c0_i32_0 = arith.constant 0 : i32
    return %arg0, %c0_i32 : i32, i32
  }
  func.func @transform_1(%arg0: i32) -> (i32, i32) {
    %c0_i32 = arith.constant 0 : i32
    %c0_i32_0 = arith.constant 0 : i32
    return %arg0, %c0_i32 : i32, i32
  }
  func.func @transform_2(%arg0: i32) -> (i32, i32) {
    %c0_i32 = arith.constant 0 : i32
    %c0_i32_0 = arith.constant 0 : i32
    %c0_i32_1 = arith.constant 0 : i32
    return %c0_i32, %c0_i32_0 : i32, i32
  }
  func.func @transform_3(%arg0: i32) -> (i32, i32) {
    %c0_i32 = arith.constant 0 : i32
    %c0_i32_0 = arith.constant 0 : i32
    %c0_i32_1 = arith.constant 0 : i32
    return %c0_i32, %c0_i32_0 : i32, i32
  }
  func.func @transform_4(%arg0: i32) -> (i32, i32) {
    %c0_i32 = arith.constant 0 : i32
    %c0_i32_0 = arith.constant 0 : i32
    %c0_i32_1 = arith.constant 0 : i32
    return %c0_i32, %c0_i32_0 : i32, i32
  }
  func.func @transform_5(%arg0: i32) -> (i32, i32) {
    %c0_i32 = arith.constant 0 : i32
    %c0_i32_0 = arith.constant 0 : i32
    %c0_i32_1 = arith.constant 0 : i32
    return %c0_i32, %c0_i32_0 : i32, i32
  }
  func.func @transform_6(%arg0: i32) -> (i32, i32) {
    %c0_i32 = arith.constant 0 : i32
    %c0_i32_0 = arith.constant 0 : i32
    %c0_i32_1 = arith.constant 0 : i32
    return %c0_i32, %c0_i32_0 : i32, i32
  }
  func.func @transform_7(%arg0: i32) -> (i32, i32) {
    %c0_i32 = arith.constant 0 : i32
    %c0_i32_0 = arith.constant 0 : i32
    %c0_i32_1 = arith.constant 0 : i32
    return %c0_i32, %c0_i32_0 : i32, i32
  }
  func.func @transform_8(%arg0: i32) -> (i32, i32) {
    %c0_i32 = arith.constant 0 : i32
    %c0_i32_0 = arith.constant 0 : i32
    return %arg0, %c0_i32 : i32, i32
  }
}

module attributes {stable_mosaic.version = 14 : i64} {
  func.func @body(%arg0: i32, %arg1: memref<2000x128xf32, #tpu.memory_space<vmem>>, %arg2: memref<2000x128xf32, #tpu.memory_space<vmem>>, %arg3: memref<128x128xf32, #tpu.memory_space<vmem>>, %arg4: memref<1x128xf32, #tpu.memory_space<vmem>>, %arg5: memref<128x128xf32, #tpu.memory_space<vmem>>, %arg6: memref<1x128xf32, #tpu.memory_space<vmem>>, %arg7: memref<128x256xf32, #tpu.memory_space<vmem>>, %arg8: memref<128x256xf32, #tpu.memory_space<vmem>>, %arg9: memref<1x256xf32, #tpu.memory_space<vmem>>, %arg10: memref<256x256xf32, #tpu.memory_space<vmem>>, %arg11: memref<1x256xf32, #tpu.memory_space<vmem>>, %arg12: memref<256x64xf32, #tpu.memory_space<vmem>>, %arg13: memref<1x64xf32, #tpu.memory_space<vmem>>, %arg14: memref<2000x64xf32, #tpu.memory_space<vmem>>) attributes {dimension_semantics = [#tpu.dimension_semantics<arbitrary>], iteration_bounds = array<i64: 20>, scalar_prefetch = 0 : i64, scratch_operands = 0 : i64, tpu.core_type = #tpu.core_type<tc>, window_params = [{transform_indices = @transform_0, window_bounds = array<i64: 2000, 128>}, {transform_indices = @transform_1, window_bounds = array<i64: 2000, 128>}, {pipeline_mode = #tpu.pipeline_mode<synchronous>, transform_indices = @transform_2, window_bounds = array<i64: 128, 128>}, {pipeline_mode = #tpu.pipeline_mode<synchronous>, transform_indices = @transform_3, window_bounds = array<i64: 1, 128>}, {pipeline_mode = #tpu.pipeline_mode<synchronous>, transform_indices = @transform_4, window_bounds = array<i64: 128, 128>}, {pipeline_mode = #tpu.pipeline_mode<synchronous>, transform_indices = @transform_5, window_bounds = array<i64: 1, 128>}, {pipeline_mode = #tpu.pipeline_mode<synchronous>, transform_indices = @transform_6, window_bounds = array<i64: 128, 256>}, {pipeline_mode = #tpu.pipeline_mode<synchronous>, transform_indices = @transform_7, window_bounds = array<i64: 128, 256>}, {pipeline_mode = #tpu.pipeline_mode<synchronous>, transform_indices = @transform_8, window_bounds = array<i64: 1, 256>}, {pipeline_mode = #tpu.pipeline_mode<synchronous>, transform_indices = @transform_9, window_bounds = array<i64: 256, 256>}, {pipeline_mode = #tpu.pipeline_mode<synchronous>, transform_indices = @transform_10, window_bounds = array<i64: 1, 256>}, {pipeline_mode = #tpu.pipeline_mode<synchronous>, transform_indices = @transform_11, window_bounds = array<i64: 256, 64>}, {pipeline_mode = #tpu.pipeline_mode<synchronous>, transform_indices = @transform_12, window_bounds = array<i64: 1, 64>}, {transform_indices = @transform_13, window_bounds = array<i64: 2000, 64>}]} {
    %get3A = arith.constant 0 : index
    %get3A_0 = arith.constant 0 : index
    %get3A_1 = vector.load %arg2[%get3A, %get3A_0] : memref<2000x128xf32, #tpu.memory_space<vmem>>, vector<2000x128xf32>
    %get3A_2 = arith.constant 0 : index
    %get3A_3 = arith.constant 0 : index
    %get3A_4 = vector.load %arg3[%get3A_2, %get3A_3] : memref<128x128xf32, #tpu.memory_space<vmem>>, vector<128x128xf32>
    %convert_element_type3A = arith.truncf %get3A_1 : vector<2000x128xf32> to vector<2000x128xbf16>
    %convert_element_type3A_5 = arith.truncf %get3A_4 : vector<128x128xf32> to vector<128x128xbf16>
    %dot_general3A = arith.constant dense<0.000000e+00> : vector<2000x128xf32>
    %dot_general3A_6 = tpu.matmul %convert_element_type3A, %convert_element_type3A_5, %dot_general3A {dimension_numbers = #tpu.dot_dimension_numbers<[1], [0], [0], [1], [0, 0, 1, 1], [], []>, transpose_lhs_hint = false} : vector<2000x128xbf16>, vector<128x128xbf16>, vector<2000x128xf32> -> vector<2000x128xf32>
    %get3A_7 = arith.constant 0 : index
    %get3A_8 = arith.constant 0 : index
    %get3A_9 = vector.load %arg4[%get3A_7, %get3A_8] : memref<1x128xf32, #tpu.memory_space<vmem>>, vector<1x128xf32>
    %add3A = vector.broadcast %get3A_9 : vector<1x128xf32> to vector<2000x128xf32>
    %add3A_10 = arith.addf %dot_general3A_6, %add3A : vector<2000x128xf32>
    %gt3A = arith.constant 0.000000e+00 : f32
    %gt3A_11 = vector.broadcast %gt3A : f32 to vector<2000x128xf32>
    %gt3A_12 = arith.cmpf ogt, %add3A_10, %gt3A_11 : vector<2000x128xf32>
    %mul3A = arith.constant 0.00999999977 : f32
    %mul3A_13 = vector.broadcast %mul3A : f32 to vector<2000x128xf32>
    %mul3A_14 = arith.mulf %mul3A_13, %add3A_10 : vector<2000x128xf32>
    %select_n3A = arith.select %gt3A_12, %add3A_10, %mul3A_14 : vector<2000x128xi1>, vector<2000x128xf32>
    %get3A_15 = arith.constant 0 : index
    %get3A_16 = arith.constant 0 : index
    %get3A_17 = vector.load %arg5[%get3A_15, %get3A_16] : memref<128x128xf32, #tpu.memory_space<vmem>>, vector<128x128xf32>
    %convert_element_type3A_18 = arith.truncf %select_n3A : vector<2000x128xf32> to vector<2000x128xbf16>
    %convert_element_type3A_19 = arith.truncf %get3A_17 : vector<128x128xf32> to vector<128x128xbf16>
    %dot_general3A_20 = arith.constant dense<0.000000e+00> : vector<2000x128xf32>
    %dot_general3A_21 = tpu.matmul %convert_element_type3A_18, %convert_element_type3A_19, %dot_general3A_20 {dimension_numbers = #tpu.dot_dimension_numbers<[1], [0], [0], [1], [0, 0, 1, 1], [], []>, transpose_lhs_hint = false} : vector<2000x128xbf16>, vector<128x128xbf16>, vector<2000x128xf32> -> vector<2000x128xf32>
    %get3A_22 = arith.constant 0 : index
    %get3A_23 = arith.constant 0 : index
    %get3A_24 = vector.load %arg6[%get3A_22, %get3A_23] : memref<1x128xf32, #tpu.memory_space<vmem>>, vector<1x128xf32>
    %add3A_25 = vector.broadcast %get3A_24 : vector<1x128xf32> to vector<2000x128xf32>
    %add3A_26 = arith.addf %dot_general3A_21, %add3A_25 : vector<2000x128xf32>
    %get3A_27 = arith.constant 0 : index
    %get3A_28 = arith.constant 0 : index
    %get3A_29 = vector.load %arg1[%get3A_27, %get3A_28] : memref<2000x128xf32, #tpu.memory_space<vmem>>, vector<2000x128xf32>
    %get3A_30 = arith.constant 0 : index
    %get3A_31 = arith.constant 0 : index
    %get3A_32 = vector.load %arg7[%get3A_30, %get3A_31] : memref<128x256xf32, #tpu.memory_space<vmem>>, vector<128x256xf32>
    %convert_element_type3A_33 = arith.truncf %get3A_29 : vector<2000x128xf32> to vector<2000x128xbf16>
    %convert_element_type3A_34 = arith.truncf %get3A_32 : vector<128x256xf32> to vector<128x256xbf16>
    %dot_general3A_35 = arith.constant dense<0.000000e+00> : vector<2000x256xf32>
    %dot_general3A_36 = tpu.matmul %convert_element_type3A_33, %convert_element_type3A_34, %dot_general3A_35 {dimension_numbers = #tpu.dot_dimension_numbers<[1], [0], [0], [1], [0, 0, 1, 1], [], []>, transpose_lhs_hint = false} : vector<2000x128xbf16>, vector<128x256xbf16>, vector<2000x256xf32> -> vector<2000x256xf32>
    %get3A_37 = arith.constant 0 : index
    %get3A_38 = arith.constant 0 : index
    %get3A_39 = vector.load %arg8[%get3A_37, %get3A_38] : memref<128x256xf32, #tpu.memory_space<vmem>>, vector<128x256xf32>
    %convert_element_type3A_40 = arith.truncf %add3A_26 : vector<2000x128xf32> to vector<2000x128xbf16>
    %convert_element_type3A_41 = arith.truncf %get3A_39 : vector<128x256xf32> to vector<128x256xbf16>
    %dot_general3A_42 = arith.constant dense<0.000000e+00> : vector<2000x256xf32>
    %dot_general3A_43 = tpu.matmul %convert_element_type3A_40, %convert_element_type3A_41, %dot_general3A_42 {dimension_numbers = #tpu.dot_dimension_numbers<[1], [0], [0], [1], [0, 0, 1, 1], [], []>, transpose_lhs_hint = false} : vector<2000x128xbf16>, vector<128x256xbf16>, vector<2000x256xf32> -> vector<2000x256xf32>
    %add3A_44 = arith.addf %dot_general3A_36, %dot_general3A_43 : vector<2000x256xf32>
    %get3A_45 = arith.constant 0 : index
    %get3A_46 = arith.constant 0 : index
    %get3A_47 = vector.load %arg9[%get3A_45, %get3A_46] : memref<1x256xf32, #tpu.memory_space<vmem>>, vector<1x256xf32>
    %add3A_48 = vector.broadcast %get3A_47 : vector<1x256xf32> to vector<2000x256xf32>
    %add3A_49 = arith.addf %add3A_44, %add3A_48 : vector<2000x256xf32>
    %gt3A_50 = arith.constant 0.000000e+00 : f32
    %gt3A_51 = vector.broadcast %gt3A_50 : f32 to vector<2000x256xf32>
    %gt3A_52 = arith.cmpf ogt, %add3A_49, %gt3A_51 : vector<2000x256xf32>
    %mul3A_53 = arith.constant 0.00999999977 : f32
    %mul3A_54 = vector.broadcast %mul3A_53 : f32 to vector<2000x256xf32>
    %mul3A_55 = arith.mulf %mul3A_54, %add3A_49 : vector<2000x256xf32>
    %select_n3A_56 = arith.select %gt3A_52, %add3A_49, %mul3A_55 : vector<2000x256xi1>, vector<2000x256xf32>
    %get3A_57 = arith.constant 0 : index
    %get3A_58 = arith.constant 0 : index
    %get3A_59 = vector.load %arg10[%get3A_57, %get3A_58] : memref<256x256xf32, #tpu.memory_space<vmem>>, vector<256x256xf32>
    %convert_element_type3A_60 = arith.truncf %select_n3A_56 : vector<2000x256xf32> to vector<2000x256xbf16>
    %convert_element_type3A_61 = arith.truncf %get3A_59 : vector<256x256xf32> to vector<256x256xbf16>
    %dot_general3A_62 = arith.constant dense<0.000000e+00> : vector<2000x256xf32>
    %dot_general3A_63 = tpu.matmul %convert_element_type3A_60, %convert_element_type3A_61, %dot_general3A_62 {dimension_numbers = #tpu.dot_dimension_numbers<[1], [0], [0], [1], [0, 0, 1, 1], [], []>, transpose_lhs_hint = false} : vector<2000x256xbf16>, vector<256x256xbf16>, vector<2000x256xf32> -> vector<2000x256xf32>
    %get3A_64 = arith.constant 0 : index
    %get3A_65 = arith.constant 0 : index
    %get3A_66 = vector.load %arg11[%get3A_64, %get3A_65] : memref<1x256xf32, #tpu.memory_space<vmem>>, vector<1x256xf32>
    %add3A_67 = vector.broadcast %get3A_66 : vector<1x256xf32> to vector<2000x256xf32>
    %add3A_68 = arith.addf %dot_general3A_63, %add3A_67 : vector<2000x256xf32>
    %gt3A_69 = arith.constant 0.000000e+00 : f32
    %gt3A_70 = vector.broadcast %gt3A_69 : f32 to vector<2000x256xf32>
    %gt3A_71 = arith.cmpf ogt, %add3A_68, %gt3A_70 : vector<2000x256xf32>
    %mul3A_72 = arith.constant 0.00999999977 : f32
    %mul3A_73 = vector.broadcast %mul3A_72 : f32 to vector<2000x256xf32>
    %mul3A_74 = arith.mulf %mul3A_73, %add3A_68 : vector<2000x256xf32>
    %select_n3A_75 = arith.select %gt3A_71, %add3A_68, %mul3A_74 : vector<2000x256xi1>, vector<2000x256xf32>
    %get3A_76 = arith.constant 0 : index
    %get3A_77 = arith.constant 0 : index
    %get3A_78 = vector.load %arg12[%get3A_76, %get3A_77] : memref<256x64xf32, #tpu.memory_space<vmem>>, vector<256x64xf32>
    %convert_element_type3A_79 = arith.truncf %select_n3A_75 : vector<2000x256xf32> to vector<2000x256xbf16>
    %convert_element_type3A_80 = arith.truncf %get3A_78 : vector<256x64xf32> to vector<256x64xbf16>
    %dot_general3A_81 = arith.constant dense<0.000000e+00> : vector<2000x64xf32>
    %dot_general3A_82 = tpu.matmul %convert_element_type3A_79, %convert_element_type3A_80, %dot_general3A_81 {dimension_numbers = #tpu.dot_dimension_numbers<[1], [0], [0], [1], [0, 0, 1, 1], [], []>, transpose_lhs_hint = false} : vector<2000x256xbf16>, vector<256x64xbf16>, vector<2000x64xf32> -> vector<2000x64xf32>
    %get3A_83 = arith.constant 0 : index
    %get3A_84 = arith.constant 0 : index
    %get3A_85 = vector.load %arg13[%get3A_83, %get3A_84] : memref<1x64xf32, #tpu.memory_space<vmem>>, vector<1x64xf32>
    %add3A_86 = vector.broadcast %get3A_85 : vector<1x64xf32> to vector<2000x64xf32>
    %add3A_87 = arith.addf %dot_general3A_82, %add3A_86 : vector<2000x64xf32>
    %swap3A = arith.constant 0 : index
    %swap3A_88 = arith.constant 0 : index
    %swap3A_89 = vector.load %arg14[%swap3A, %swap3A_88] : memref<2000x64xf32, #tpu.memory_space<vmem>>, vector<2000x64xf32>
    tpu.vector_store %arg14[%swap3A, %swap3A_88], %add3A_87 {strides = array<i32>} : memref<2000x64xf32, #tpu.memory_space<vmem>>, vector<2000x64xf32>,
    return
  }
  func.func @transform_0(%arg0: i32) -> (i32, i32) {
    %c0_i32 = arith.constant 0 : i32
    %c0_i32_0 = arith.constant 0 : i32
    return %arg0, %c0_i32 : i32, i32
  }
  func.func @transform_1(%arg0: i32) -> (i32, i32) {
    %c0_i32 = arith.constant 0 : i32
    %c0_i32_0 = arith.constant 0 : i32
    return %arg0, %c0_i32 : i32, i32
  }
  func.func @transform_2(%arg0: i32) -> (i32, i32) {
    %c0_i32 = arith.constant 0 : i32
    %c0_i32_0 = arith.constant 0 : i32
    %c0_i32_1 = arith.constant 0 : i32
    return %c0_i32, %c0_i32_0 : i32, i32
  }
  func.func @transform_3(%arg0: i32) -> (i32, i32) {
    %c0_i32 = arith.constant 0 : i32
    %c0_i32_0 = arith.constant 0 : i32
    %c0_i32_1 = arith.constant 0 : i32
    return %c0_i32, %c0_i32_0 : i32, i32
  }
  func.func @transform_4(%arg0: i32) -> (i32, i32) {
    %c0_i32 = arith.constant 0 : i32
    %c0_i32_0 = arith.constant 0 : i32
    %c0_i32_1 = arith.constant 0 : i32
    return %c0_i32, %c0_i32_0 : i32, i32
  }
  func.func @transform_5(%arg0: i32) -> (i32, i32) {
    %c0_i32 = arith.constant 0 : i32
    %c0_i32_0 = arith.constant 0 : i32
    %c0_i32_1 = arith.constant 0 : i32
    return %c0_i32, %c0_i32_0 : i32, i32
  }
  func.func @transform_6(%arg0: i32) -> (i32, i32) {
    %c0_i32 = arith.constant 0 : i32
    %c0_i32_0 = arith.constant 0 : i32
    %c0_i32_1 = arith.constant 0 : i32
    return %c0_i32, %c0_i32_0 : i32, i32
  }
  func.func @transform_7(%arg0: i32) -> (i32, i32) {
    %c0_i32 = arith.constant 0 : i32
    %c0_i32_0 = arith.constant 0 : i32
    %c0_i32_1 = arith.constant 0 : i32
    return %c0_i32, %c0_i32_0 : i32, i32
  }
  func.func @transform_8(%arg0: i32) -> (i32, i32) {
    %c0_i32 = arith.constant 0 : i32
    %c0_i32_0 = arith.constant 0 : i32
    %c0_i32_1 = arith.constant 0 : i32
    return %c0_i32, %c0_i32_0 : i32, i32
  }
  func.func @transform_9(%arg0: i32) -> (i32, i32) {
    %c0_i32 = arith.constant 0 : i32
    %c0_i32_0 = arith.constant 0 : i32
    %c0_i32_1 = arith.constant 0 : i32
    return %c0_i32, %c0_i32_0 : i32, i32
  }
  func.func @transform_10(%arg0: i32) -> (i32, i32) {
    %c0_i32 = arith.constant 0 : i32
    %c0_i32_0 = arith.constant 0 : i32
    %c0_i32_1 = arith.constant 0 : i32
    return %c0_i32, %c0_i32_0 : i32, i32
  }
  func.func @transform_11(%arg0: i32) -> (i32, i32) {
    %c0_i32 = arith.constant 0 : i32
    %c0_i32_0 = arith.constant 0 : i32
    %c0_i32_1 = arith.constant 0 : i32
    return %c0_i32, %c0_i32_0 : i32, i32
  }
  func.func @transform_12(%arg0: i32) -> (i32, i32) {
    %c0_i32 = arith.constant 0 : i32
    %c0_i32_0 = arith.constant 0 : i32
    %c0_i32_1 = arith.constant 0 : i32
    return %c0_i32, %c0_i32_0 : i32, i32
  }
  func.func @transform_13(%arg0: i32) -> (i32, i32) {
    %c0_i32 = arith.constant 0 : i32
    %c0_i32_0 = arith.constant 0 : i32
    return %arg0, %c0_i32 : i32, i32
  }
}

module attributes {stable_mosaic.version = 14 : i64} {
  func.func @body1(%arg0: i32, %arg1: memref<2x2000x8xf32, #tpu.memory_space<vmem>>, %arg2: memref<2000x16xf32, #tpu.memory_space<vmem>>, %arg3: memref<16x8xf32, #tpu.memory_space<vmem>>, %arg4: memref<1x8xf32, #tpu.memory_space<vmem>>, %arg5: memref<2000x8xf32, #tpu.memory_space<vmem>>, %arg6: memref<1x1x8xf32, #tpu.memory_space<vmem>>, %arg7: memref<1x1x8xf32, #tpu.memory_space<vmem>>) attributes {dimension_semantics = [#tpu.dimension_semantics<arbitrary>], iteration_bounds = array<i64: 5>, scalar_prefetch = 0 : i64, scratch_operands = 0 : i64, tpu.core_type = #tpu.core_type<tc>, window_params = [{transform_indices = @transform_0, window_bounds = array<i64: 2, 2000, 8>}, {transform_indices = @transform_1, window_bounds = array<i64: 2000, 16>}, {pipeline_mode = #tpu.pipeline_mode<synchronous>, transform_indices = @transform_2, window_bounds = array<i64: 16, 8>}, {pipeline_mode = #tpu.pipeline_mode<synchronous>, transform_indices = @transform_3, window_bounds = array<i64: 1, 8>}, {transform_indices = @transform_4, window_bounds = array<i64: 2000, 8>}, {transform_indices = @transform_5, window_bounds = array<i64: 1, 1, 8>}, {transform_indices = @transform_6, window_bounds = array<i64: 1, 1, 8>}]} {
    %get3A = arith.constant 0 : index
    %get3A_0 = arith.constant 0 : index
    %get3A_1 = arith.constant 0 : index
    %get3A_2 = vector.load %arg1[%get3A, %get3A_0, %get3A_1] : memref<2x2000x8xf32, #tpu.memory_space<vmem>>, vector<1x2000x8xf32>
    %get3A_3 = vector.shape_cast %get3A_2 : vector<1x2000x8xf32> to vector<2000x8xf32>
    %get3A_4 = arith.constant 1 : index
    %get3A_5 = arith.constant 0 : index
    %get3A_6 = arith.constant 0 : index
    %get3A_7 = vector.load %arg1[%get3A_4, %get3A_5, %get3A_6] : memref<2x2000x8xf32, #tpu.memory_space<vmem>>, vector<1x2000x8xf32>
    %get3A_8 = vector.shape_cast %get3A_7 : vector<1x2000x8xf32> to vector<2000x8xf32>
    %add3A = arith.addf %get3A_3, %get3A_8 : vector<2000x8xf32>
    %get3A_9 = arith.constant 0 : index
    %get3A_10 = arith.constant 0 : index
    %get3A_11 = vector.load %arg2[%get3A_9, %get3A_10] : memref<2000x16xf32, #tpu.memory_space<vmem>>, vector<2000x16xf32>
    %get3A_12 = arith.constant 0 : index
    %get3A_13 = arith.constant 0 : index
    %get3A_14 = vector.load %arg3[%get3A_12, %get3A_13] : memref<16x8xf32, #tpu.memory_space<vmem>>, vector<16x8xf32>
    %dot_general3A = arith.constant dense<0.000000e+00> : vector<2000x8xf32>
    %dot_general3A_15 = tpu.matmul %get3A_11, %get3A_14, %dot_general3A {dimension_numbers = #tpu.dot_dimension_numbers<[1], [0], [0], [1], [0, 0, 1, 1], [], []>, precision = #tpu.contract_precision<fp32>, transpose_lhs_hint = false} : vector<2000x16xf32>, vector<16x8xf32>, vector<2000x8xf32> -> vector<2000x8xf32>
    %add3A_16 = arith.addf %add3A, %dot_general3A_15 : vector<2000x8xf32>
    %get3A_17 = arith.constant 0 : index
    %get3A_18 = arith.constant 0 : index
    %get3A_19 = vector.load %arg4[%get3A_17, %get3A_18] : memref<1x8xf32, #tpu.memory_space<vmem>>, vector<1x8xf32>
    %add3A_20 = vector.broadcast %get3A_19 : vector<1x8xf32> to vector<2000x8xf32>
    %add3A_21 = arith.addf %add3A_16, %add3A_20 : vector<2000x8xf32>
    %max3A = arith.constant 0.000000e+00 : f32
    %max3A_22 = vector.broadcast %max3A : f32 to vector<2000x8xf32>
    %max3A_23 = arith.maximumf %add3A_21, %max3A_22 : vector<2000x8xf32>
    %swap3A = arith.constant 0 : index
    %swap3A_24 = arith.constant 0 : index
    %swap3A_25 = vector.load %arg5[%swap3A, %swap3A_24] : memref<2000x8xf32, #tpu.memory_space<vmem>>, vector<2000x8xf32>
    tpu.vector_store %arg5[%swap3A, %swap3A_24], %max3A_23 {strides = array<i32>} : memref<2000x8xf32, #tpu.memory_space<vmem>>, vector<2000x8xf32>,
    %reduce_sum3A = arith.constant dense<0.000000e+00> : vector<8xf32>
    %reduce_sum3A_26 = vector.multi_reduction <add>, %max3A_23, %reduce_sum3A [0] : vector<2000x8xf32> to vector<8xf32>
    %broadcast_in_dim3A = vector.shape_cast %reduce_sum3A_26 : vector<8xf32> to vector<1x8xf32>
    %broadcast_in_dim3A_27 = vector.shape_cast %broadcast_in_dim3A : vector<1x8xf32> to vector<1x1x8xf32>
    %swap3A_28 = arith.constant 0 : index
    %swap3A_29 = arith.constant 0 : index
    %swap3A_30 = arith.constant 0 : index
    %swap3A_31 = vector.load %arg6[%swap3A_28, %swap3A_29, %swap3A_30] : memref<1x1x8xf32, #tpu.memory_space<vmem>>, vector<1x1x8xf32>
    tpu.vector_store %arg6[%swap3A_28, %swap3A_29, %swap3A_30], %broadcast_in_dim3A_27 {strides = array<i32>} : memref<1x1x8xf32, #tpu.memory_space<vmem>>, vector<1x1x8xf32>,
    %mul3A = arith.mulf %max3A_23, %max3A_23 : vector<2000x8xf32>
    %reduce_sum3A_32 = arith.constant dense<0.000000e+00> : vector<8xf32>
    %reduce_sum3A_33 = vector.multi_reduction <add>, %mul3A, %reduce_sum3A_32 [0] : vector<2000x8xf32> to vector<8xf32>
    %broadcast_in_dim3A_34 = vector.shape_cast %reduce_sum3A_33 : vector<8xf32> to vector<1x8xf32>
    %broadcast_in_dim3A_35 = vector.shape_cast %broadcast_in_dim3A_34 : vector<1x8xf32> to vector<1x1x8xf32>
    %swap3A_36 = arith.constant 0 : index
    %swap3A_37 = arith.constant 0 : index
    %swap3A_38 = arith.constant 0 : index
    %swap3A_39 = vector.load %arg7[%swap3A_36, %swap3A_37, %swap3A_38] : memref<1x1x8xf32, #tpu.memory_space<vmem>>, vector<1x1x8xf32>
    tpu.vector_store %arg7[%swap3A_36, %swap3A_37, %swap3A_38], %broadcast_in_dim3A_35 {strides = array<i32>} : memref<1x1x8xf32, #tpu.memory_space<vmem>>, vector<1x1x8xf32>,
    return
  }
  func.func @transform_0(%arg0: i32) -> (i32, i32, i32) {
    %c0_i32 = arith.constant 0 : i32
    %c0_i32_0 = arith.constant 0 : i32
    %c0_i32_1 = arith.constant 0 : i32
    return %c0_i32, %arg0, %c0_i32_0 : i32, i32, i32
  }
  func.func @transform_1(%arg0: i32) -> (i32, i32) {
    %c0_i32 = arith.constant 0 : i32
    %c0_i32_0 = arith.constant 0 : i32
    return %arg0, %c0_i32 : i32, i32
  }
  func.func @transform_2(%arg0: i32) -> (i32, i32) {
    %c0_i32 = arith.constant 0 : i32
    %c0_i32_0 = arith.constant 0 : i32
    %c0_i32_1 = arith.constant 0 : i32
    return %c0_i32, %c0_i32_0 : i32, i32
  }
  func.func @transform_3(%arg0: i32) -> (i32, i32) {
    %c0_i32 = arith.constant 0 : i32
    %c0_i32_0 = arith.constant 0 : i32
    %c0_i32_1 = arith.constant 0 : i32
    return %c0_i32, %c0_i32_0 : i32, i32
  }
  func.func @transform_4(%arg0: i32) -> (i32, i32) {
    %c0_i32 = arith.constant 0 : i32
    %c0_i32_0 = arith.constant 0 : i32
    return %arg0, %c0_i32 : i32, i32
  }
  func.func @transform_5(%arg0: i32) -> (i32, i32, i32) {
    %c0_i32 = arith.constant 0 : i32
    %c0_i32_0 = arith.constant 0 : i32
    %c0_i32_1 = arith.constant 0 : i32
    return %arg0, %c0_i32, %c0_i32_0 : i32, i32, i32
  }
  func.func @transform_6(%arg0: i32) -> (i32, i32, i32) {
    %c0_i32 = arith.constant 0 : i32
    %c0_i32_0 = arith.constant 0 : i32
    %c0_i32_1 = arith.constant 0 : i32
    return %arg0, %c0_i32, %c0_i32_0 : i32, i32, i32
  }
}

module attributes {stable_mosaic.version = 14 : i64} {
  func.func @body2(%arg0: i32, %arg1: memref<2000x8xf32, #tpu.memory_space<vmem>>, %arg2: memref<5x1x8xf32, #tpu.memory_space<vmem>>, %arg3: memref<5x1x8xf32, #tpu.memory_space<vmem>>, %arg4: memref<1x8xf32, #tpu.memory_space<vmem>>, %arg5: memref<1x8xf32, #tpu.memory_space<vmem>>, %arg6: memref<2000x8xf32, #tpu.memory_space<vmem>>) attributes {dimension_semantics = [#tpu.dimension_semantics<arbitrary>], iteration_bounds = array<i64: 5>, scalar_prefetch = 0 : i64, scratch_operands = 0 : i64, tpu.core_type = #tpu.core_type<tc>, window_params = [{transform_indices = @transform_0, window_bounds = array<i64: 2000, 8>}, {pipeline_mode = #tpu.pipeline_mode<synchronous>, transform_indices = @transform_1, window_bounds = array<i64: 5, 1, 8>}, {pipeline_mode = #tpu.pipeline_mode<synchronous>, transform_indices = @transform_2, window_bounds = array<i64: 5, 1, 8>}, {pipeline_mode = #tpu.pipeline_mode<synchronous>, transform_indices = @transform_3, window_bounds = array<i64: 1, 8>}, {pipeline_mode = #tpu.pipeline_mode<synchronous>, transform_indices = @transform_4, window_bounds = array<i64: 1, 8>}, {transform_indices = @transform_5, window_bounds = array<i64: 2000, 8>}]} {
    %get3A = arith.constant 0 : index
    %get3A_0 = arith.constant 0 : index
    %get3A_1 = arith.constant 0 : index
    %get3A_2 = vector.load %arg2[%get3A, %get3A_0, %get3A_1] : memref<5x1x8xf32, #tpu.memory_space<vmem>>, vector<5x1x8xf32>
    %reduce_sum3A = arith.constant dense<0.000000e+00> : vector<1x8xf32>
    %reduce_sum3A_3 = vector.multi_reduction <add>, %get3A_2, %reduce_sum3A [0] : vector<5x1x8xf32> to vector<1x8xf32>
    %div3A = arith.constant 1.000000e+04 : f32
    %div3A_4 = vector.broadcast %div3A : f32 to vector<1x8xf32>
    %div3A_5 = arith.divf %reduce_sum3A_3, %div3A_4 : vector<1x8xf32>
    %get3A_6 = arith.constant 0 : index
    %get3A_7 = arith.constant 0 : index
    %get3A_8 = arith.constant 0 : index
    %get3A_9 = vector.load %arg3[%get3A_6, %get3A_7, %get3A_8] : memref<5x1x8xf32, #tpu.memory_space<vmem>>, vector<5x1x8xf32>
    %reduce_sum3A_10 = arith.constant dense<0.000000e+00> : vector<1x8xf32>
    %reduce_sum3A_11 = vector.multi_reduction <add>, %get3A_9, %reduce_sum3A_10 [0] : vector<5x1x8xf32> to vector<1x8xf32>
    %div3A_12 = arith.constant 1.000000e+04 : f32
    %div3A_13 = vector.broadcast %div3A_12 : f32 to vector<1x8xf32>
    %div3A_14 = arith.divf %reduce_sum3A_11, %div3A_13 : vector<1x8xf32>
    %mul3A = arith.mulf %div3A_5, %div3A_5 : vector<1x8xf32>
    %sub3A = arith.subf %div3A_14, %mul3A : vector<1x8xf32>
    %get3A_15 = arith.constant 0 : index
    %get3A_16 = arith.constant 0 : index
    %get3A_17 = vector.load %arg1[%get3A_15, %get3A_16] : memref<2000x8xf32, #tpu.memory_space<vmem>>, vector<2000x8xf32>
    %sub3A_18 = vector.broadcast %div3A_5 : vector<1x8xf32> to vector<2000x8xf32>
    %sub3A_19 = arith.subf %get3A_17, %sub3A_18 : vector<2000x8xf32>
    %add3A = arith.constant 9.99999974E-6 : f32
    %add3A_20 = vector.broadcast %add3A : f32 to vector<1x8xf32>
    %add3A_21 = arith.addf %sub3A, %add3A_20 : vector<1x8xf32>
    %rsqrt3A = math.rsqrt %add3A_21 : vector<1x8xf32>
    %mul3A_22 = vector.broadcast %rsqrt3A : vector<1x8xf32> to vector<2000x8xf32>
    %mul3A_23 = arith.mulf %sub3A_19, %mul3A_22 : vector<2000x8xf32>
    %get3A_24 = arith.constant 0 : index
    %get3A_25 = arith.constant 0 : index
    %get3A_26 = vector.load %arg4[%get3A_24, %get3A_25] : memref<1x8xf32, #tpu.memory_space<vmem>>, vector<1x8xf32>
    %mul3A_27 = vector.broadcast %get3A_26 : vector<1x8xf32> to vector<2000x8xf32>
    %mul3A_28 = arith.mulf %mul3A_23, %mul3A_27 : vector<2000x8xf32>
    %get3A_29 = arith.constant 0 : index
    %get3A_30 = arith.constant 0 : index
    %get3A_31 = vector.load %arg5[%get3A_29, %get3A_30] : memref<1x8xf32, #tpu.memory_space<vmem>>, vector<1x8xf32>
    %add3A_32 = vector.broadcast %get3A_31 : vector<1x8xf32> to vector<2000x8xf32>
    %add3A_33 = arith.addf %mul3A_28, %add3A_32 : vector<2000x8xf32>
    %swap3A = arith.constant 0 : index
    %swap3A_34 = arith.constant 0 : index
    %swap3A_35 = vector.load %arg6[%swap3A, %swap3A_34] : memref<2000x8xf32, #tpu.memory_space<vmem>>, vector<2000x8xf32>
    tpu.vector_store %arg6[%swap3A, %swap3A_34], %add3A_33 {strides = array<i32>} : memref<2000x8xf32, #tpu.memory_space<vmem>>, vector<2000x8xf32>,
    return
  }
  func.func @transform_0(%arg0: i32) -> (i32, i32) {
    %c0_i32 = arith.constant 0 : i32
    %c0_i32_0 = arith.constant 0 : i32
    return %arg0, %c0_i32 : i32, i32
  }
  func.func @transform_1(%arg0: i32) -> (i32, i32, i32) {
    %c0_i32 = arith.constant 0 : i32
    %c0_i32_0 = arith.constant 0 : i32
    %c0_i32_1 = arith.constant 0 : i32
    %c0_i32_2 = arith.constant 0 : i32
    return %c0_i32, %c0_i32_0, %c0_i32_1 : i32, i32, i32
  }
  func.func @transform_2(%arg0: i32) -> (i32, i32, i32) {
    %c0_i32 = arith.constant 0 : i32
    %c0_i32_0 = arith.constant 0 : i32
    %c0_i32_1 = arith.constant 0 : i32
    %c0_i32_2 = arith.constant 0 : i32
    return %c0_i32, %c0_i32_0, %c0_i32_1 : i32, i32, i32
  }
  func.func @transform_3(%arg0: i32) -> (i32, i32) {
    %c0_i32 = arith.constant 0 : i32
    %c0_i32_0 = arith.constant 0 : i32
    %c0_i32_1 = arith.constant 0 : i32
    return %c0_i32, %c0_i32_0 : i32, i32
  }
  func.func @transform_4(%arg0: i32) -> (i32, i32) {
    %c0_i32 = arith.constant 0 : i32
    %c0_i32_0 = arith.constant 0 : i32
    %c0_i32_1 = arith.constant 0 : i32
    return %c0_i32, %c0_i32_0 : i32, i32
  }
  func.func @transform_5(%arg0: i32) -> (i32, i32) {
    %c0_i32 = arith.constant 0 : i32
    %c0_i32_0 = arith.constant 0 : i32
    return %arg0, %c0_i32 : i32, i32
  }
}

module attributes {stable_mosaic.version = 14 : i64} {
  func.func @body(%arg0: i32, %arg1: memref<2000x64xf32, #tpu.memory_space<vmem>>, %arg2: memref<2000x128xf32, #tpu.memory_space<vmem>>, %arg3: memref<128x128xf32, #tpu.memory_space<vmem>>, %arg4: memref<1x128xf32, #tpu.memory_space<vmem>>, %arg5: memref<128x128xf32, #tpu.memory_space<vmem>>, %arg6: memref<1x128xf32, #tpu.memory_space<vmem>>, %arg7: memref<64x192xf32, #tpu.memory_space<vmem>>, %arg8: memref<128x192xf32, #tpu.memory_space<vmem>>, %arg9: memref<1x192xf32, #tpu.memory_space<vmem>>, %arg10: memref<192x192xf32, #tpu.memory_space<vmem>>, %arg11: memref<1x192xf32, #tpu.memory_space<vmem>>, %arg12: memref<192x128xf32, #tpu.memory_space<vmem>>, %arg13: memref<1x128xf32, #tpu.memory_space<vmem>>, %arg14: memref<2000x128xf32, #tpu.memory_space<vmem>>) attributes {dimension_semantics = [#tpu.dimension_semantics<arbitrary>], iteration_bounds = array<i64: 20>, scalar_prefetch = 0 : i64, scratch_operands = 0 : i64, tpu.core_type = #tpu.core_type<tc>, window_params = [{transform_indices = @transform_0, window_bounds = array<i64: 2000, 64>}, {transform_indices = @transform_1, window_bounds = array<i64: 2000, 128>}, {pipeline_mode = #tpu.pipeline_mode<synchronous>, transform_indices = @transform_2, window_bounds = array<i64: 128, 128>}, {pipeline_mode = #tpu.pipeline_mode<synchronous>, transform_indices = @transform_3, window_bounds = array<i64: 1, 128>}, {pipeline_mode = #tpu.pipeline_mode<synchronous>, transform_indices = @transform_4, window_bounds = array<i64: 128, 128>}, {pipeline_mode = #tpu.pipeline_mode<synchronous>, transform_indices = @transform_5, window_bounds = array<i64: 1, 128>}, {pipeline_mode = #tpu.pipeline_mode<synchronous>, transform_indices = @transform_6, window_bounds = array<i64: 64, 192>}, {pipeline_mode = #tpu.pipeline_mode<synchronous>, transform_indices = @transform_7, window_bounds = array<i64: 128, 192>}, {pipeline_mode = #tpu.pipeline_mode<synchronous>, transform_indices = @transform_8, window_bounds = array<i64: 1, 192>}, {pipeline_mode = #tpu.pipeline_mode<synchronous>, transform_indices = @transform_9, window_bounds = array<i64: 192, 192>}, {pipeline_mode = #tpu.pipeline_mode<synchronous>, transform_indices = @transform_10, window_bounds = array<i64: 1, 192>}, {pipeline_mode = #tpu.pipeline_mode<synchronous>, transform_indices = @transform_11, window_bounds = array<i64: 192, 128>}, {pipeline_mode = #tpu.pipeline_mode<synchronous>, transform_indices = @transform_12, window_bounds = array<i64: 1, 128>}, {transform_indices = @transform_13, window_bounds = array<i64: 2000, 128>}]} {
    %get3A = arith.constant 0 : index
    %get3A_0 = arith.constant 0 : index
    %get3A_1 = vector.load %arg2[%get3A, %get3A_0] : memref<2000x128xf32, #tpu.memory_space<vmem>>, vector<2000x128xf32>
    %get3A_2 = arith.constant 0 : index
    %get3A_3 = arith.constant 0 : index
    %get3A_4 = vector.load %arg3[%get3A_2, %get3A_3] : memref<128x128xf32, #tpu.memory_space<vmem>>, vector<128x128xf32>
    %convert_element_type3A = arith.truncf %get3A_1 : vector<2000x128xf32> to vector<2000x128xbf16>
    %convert_element_type3A_5 = arith.truncf %get3A_4 : vector<128x128xf32> to vector<128x128xbf16>
    %dot_general3A = arith.constant dense<0.000000e+00> : vector<2000x128xf32>
    %dot_general3A_6 = tpu.matmul %convert_element_type3A, %convert_element_type3A_5, %dot_general3A {dimension_numbers = #tpu.dot_dimension_numbers<[1], [0], [0], [1], [0, 0, 1, 1], [], []>, transpose_lhs_hint = false} : vector<2000x128xbf16>, vector<128x128xbf16>, vector<2000x128xf32> -> vector<2000x128xf32>
    %get3A_7 = arith.constant 0 : index
    %get3A_8 = arith.constant 0 : index
    %get3A_9 = vector.load %arg4[%get3A_7, %get3A_8] : memref<1x128xf32, #tpu.memory_space<vmem>>, vector<1x128xf32>
    %add3A = vector.broadcast %get3A_9 : vector<1x128xf32> to vector<2000x128xf32>
    %add3A_10 = arith.addf %dot_general3A_6, %add3A : vector<2000x128xf32>
    %gt3A = arith.constant 0.000000e+00 : f32
    %gt3A_11 = vector.broadcast %gt3A : f32 to vector<2000x128xf32>
    %gt3A_12 = arith.cmpf ogt, %add3A_10, %gt3A_11 : vector<2000x128xf32>
    %mul3A = arith.constant 0.00999999977 : f32
    %mul3A_13 = vector.broadcast %mul3A : f32 to vector<2000x128xf32>
    %mul3A_14 = arith.mulf %mul3A_13, %add3A_10 : vector<2000x128xf32>
    %select_n3A = arith.select %gt3A_12, %add3A_10, %mul3A_14 : vector<2000x128xi1>, vector<2000x128xf32>
    %get3A_15 = arith.constant 0 : index
    %get3A_16 = arith.constant 0 : index
    %get3A_17 = vector.load %arg5[%get3A_15, %get3A_16] : memref<128x128xf32, #tpu.memory_space<vmem>>, vector<128x128xf32>
    %convert_element_type3A_18 = arith.truncf %select_n3A : vector<2000x128xf32> to vector<2000x128xbf16>
    %convert_element_type3A_19 = arith.truncf %get3A_17 : vector<128x128xf32> to vector<128x128xbf16>
    %dot_general3A_20 = arith.constant dense<0.000000e+00> : vector<2000x128xf32>
    %dot_general3A_21 = tpu.matmul %convert_element_type3A_18, %convert_element_type3A_19, %dot_general3A_20 {dimension_numbers = #tpu.dot_dimension_numbers<[1], [0], [0], [1], [0, 0, 1, 1], [], []>, transpose_lhs_hint = false} : vector<2000x128xbf16>, vector<128x128xbf16>, vector<2000x128xf32> -> vector<2000x128xf32>
    %get3A_22 = arith.constant 0 : index
    %get3A_23 = arith.constant 0 : index
    %get3A_24 = vector.load %arg6[%get3A_22, %get3A_23] : memref<1x128xf32, #tpu.memory_space<vmem>>, vector<1x128xf32>
    %add3A_25 = vector.broadcast %get3A_24 : vector<1x128xf32> to vector<2000x128xf32>
    %add3A_26 = arith.addf %dot_general3A_21, %add3A_25 : vector<2000x128xf32>
    %get3A_27 = arith.constant 0 : index
    %get3A_28 = arith.constant 0 : index
    %get3A_29 = vector.load %arg1[%get3A_27, %get3A_28] : memref<2000x64xf32, #tpu.memory_space<vmem>>, vector<2000x64xf32>
    %get3A_30 = arith.constant 0 : index
    %get3A_31 = arith.constant 0 : index
    %get3A_32 = vector.load %arg7[%get3A_30, %get3A_31] : memref<64x192xf32, #tpu.memory_space<vmem>>, vector<64x192xf32>
    %convert_element_type3A_33 = arith.truncf %get3A_29 : vector<2000x64xf32> to vector<2000x64xbf16>
    %convert_element_type3A_34 = arith.truncf %get3A_32 : vector<64x192xf32> to vector<64x192xbf16>
    %dot_general3A_35 = arith.constant dense<0.000000e+00> : vector<2000x192xf32>
    %dot_general3A_36 = tpu.matmul %convert_element_type3A_33, %convert_element_type3A_34, %dot_general3A_35 {dimension_numbers = #tpu.dot_dimension_numbers<[1], [0], [0], [1], [0, 0, 1, 1], [], []>, transpose_lhs_hint = false} : vector<2000x64xbf16>, vector<64x192xbf16>, vector<2000x192xf32> -> vector<2000x192xf32>
    %get3A_37 = arith.constant 0 : index
    %get3A_38 = arith.constant 0 : index
    %get3A_39 = vector.load %arg8[%get3A_37, %get3A_38] : memref<128x192xf32, #tpu.memory_space<vmem>>, vector<128x192xf32>
    %convert_element_type3A_40 = arith.truncf %add3A_26 : vector<2000x128xf32> to vector<2000x128xbf16>
    %convert_element_type3A_41 = arith.truncf %get3A_39 : vector<128x192xf32> to vector<128x192xbf16>
    %dot_general3A_42 = arith.constant dense<0.000000e+00> : vector<2000x192xf32>
    %dot_general3A_43 = tpu.matmul %convert_element_type3A_40, %convert_element_type3A_41, %dot_general3A_42 {dimension_numbers = #tpu.dot_dimension_numbers<[1], [0], [0], [1], [0, 0, 1, 1], [], []>, transpose_lhs_hint = false} : vector<2000x128xbf16>, vector<128x192xbf16>, vector<2000x192xf32> -> vector<2000x192xf32>
    %add3A_44 = arith.addf %dot_general3A_36, %dot_general3A_43 : vector<2000x192xf32>
    %get3A_45 = arith.constant 0 : index
    %get3A_46 = arith.constant 0 : index
    %get3A_47 = vector.load %arg9[%get3A_45, %get3A_46] : memref<1x192xf32, #tpu.memory_space<vmem>>, vector<1x192xf32>
    %add3A_48 = vector.broadcast %get3A_47 : vector<1x192xf32> to vector<2000x192xf32>
    %add3A_49 = arith.addf %add3A_44, %add3A_48 : vector<2000x192xf32>
    %gt3A_50 = arith.constant 0.000000e+00 : f32
    %gt3A_51 = vector.broadcast %gt3A_50 : f32 to vector<2000x192xf32>
    %gt3A_52 = arith.cmpf ogt, %add3A_49, %gt3A_51 : vector<2000x192xf32>
    %mul3A_53 = arith.constant 0.00999999977 : f32
    %mul3A_54 = vector.broadcast %mul3A_53 : f32 to vector<2000x192xf32>
    %mul3A_55 = arith.mulf %mul3A_54, %add3A_49 : vector<2000x192xf32>
    %select_n3A_56 = arith.select %gt3A_52, %add3A_49, %mul3A_55 : vector<2000x192xi1>, vector<2000x192xf32>
    %get3A_57 = arith.constant 0 : index
    %get3A_58 = arith.constant 0 : index
    %get3A_59 = vector.load %arg10[%get3A_57, %get3A_58] : memref<192x192xf32, #tpu.memory_space<vmem>>, vector<192x192xf32>
    %convert_element_type3A_60 = arith.truncf %select_n3A_56 : vector<2000x192xf32> to vector<2000x192xbf16>
    %convert_element_type3A_61 = arith.truncf %get3A_59 : vector<192x192xf32> to vector<192x192xbf16>
    %dot_general3A_62 = arith.constant dense<0.000000e+00> : vector<2000x192xf32>
    %dot_general3A_63 = tpu.matmul %convert_element_type3A_60, %convert_element_type3A_61, %dot_general3A_62 {dimension_numbers = #tpu.dot_dimension_numbers<[1], [0], [0], [1], [0, 0, 1, 1], [], []>, transpose_lhs_hint = false} : vector<2000x192xbf16>, vector<192x192xbf16>, vector<2000x192xf32> -> vector<2000x192xf32>
    %get3A_64 = arith.constant 0 : index
    %get3A_65 = arith.constant 0 : index
    %get3A_66 = vector.load %arg11[%get3A_64, %get3A_65] : memref<1x192xf32, #tpu.memory_space<vmem>>, vector<1x192xf32>
    %add3A_67 = vector.broadcast %get3A_66 : vector<1x192xf32> to vector<2000x192xf32>
    %add3A_68 = arith.addf %dot_general3A_63, %add3A_67 : vector<2000x192xf32>
    %gt3A_69 = arith.constant 0.000000e+00 : f32
    %gt3A_70 = vector.broadcast %gt3A_69 : f32 to vector<2000x192xf32>
    %gt3A_71 = arith.cmpf ogt, %add3A_68, %gt3A_70 : vector<2000x192xf32>
    %mul3A_72 = arith.constant 0.00999999977 : f32
    %mul3A_73 = vector.broadcast %mul3A_72 : f32 to vector<2000x192xf32>
    %mul3A_74 = arith.mulf %mul3A_73, %add3A_68 : vector<2000x192xf32>
    %select_n3A_75 = arith.select %gt3A_71, %add3A_68, %mul3A_74 : vector<2000x192xi1>, vector<2000x192xf32>
    %get3A_76 = arith.constant 0 : index
    %get3A_77 = arith.constant 0 : index
    %get3A_78 = vector.load %arg12[%get3A_76, %get3A_77] : memref<192x128xf32, #tpu.memory_space<vmem>>, vector<192x128xf32>
    %convert_element_type3A_79 = arith.truncf %select_n3A_75 : vector<2000x192xf32> to vector<2000x192xbf16>
    %convert_element_type3A_80 = arith.truncf %get3A_78 : vector<192x128xf32> to vector<192x128xbf16>
    %dot_general3A_81 = arith.constant dense<0.000000e+00> : vector<2000x128xf32>
    %dot_general3A_82 = tpu.matmul %convert_element_type3A_79, %convert_element_type3A_80, %dot_general3A_81 {dimension_numbers = #tpu.dot_dimension_numbers<[1], [0], [0], [1], [0, 0, 1, 1], [], []>, transpose_lhs_hint = false} : vector<2000x192xbf16>, vector<192x128xbf16>, vector<2000x128xf32> -> vector<2000x128xf32>
    %get3A_83 = arith.constant 0 : index
    %get3A_84 = arith.constant 0 : index
    %get3A_85 = vector.load %arg13[%get3A_83, %get3A_84] : memref<1x128xf32, #tpu.memory_space<vmem>>, vector<1x128xf32>
    %add3A_86 = vector.broadcast %get3A_85 : vector<1x128xf32> to vector<2000x128xf32>
    %add3A_87 = arith.addf %dot_general3A_82, %add3A_86 : vector<2000x128xf32>
    %swap3A = arith.constant 0 : index
    %swap3A_88 = arith.constant 0 : index
    %swap3A_89 = vector.load %arg14[%swap3A, %swap3A_88] : memref<2000x128xf32, #tpu.memory_space<vmem>>, vector<2000x128xf32>
    tpu.vector_store %arg14[%swap3A, %swap3A_88], %add3A_87 {strides = array<i32>} : memref<2000x128xf32, #tpu.memory_space<vmem>>, vector<2000x128xf32>,
    return
  }
  func.func @transform_0(%arg0: i32) -> (i32, i32) {
    %c0_i32 = arith.constant 0 : i32
    %c0_i32_0 = arith.constant 0 : i32
    return %arg0, %c0_i32 : i32, i32
  }
  func.func @transform_1(%arg0: i32) -> (i32, i32) {
    %c0_i32 = arith.constant 0 : i32
    %c0_i32_0 = arith.constant 0 : i32
    return %arg0, %c0_i32 : i32, i32
  }
  func.func @transform_2(%arg0: i32) -> (i32, i32) {
    %c0_i32 = arith.constant 0 : i32
    %c0_i32_0 = arith.constant 0 : i32
    %c0_i32_1 = arith.constant 0 : i32
    return %c0_i32, %c0_i32_0 : i32, i32
  }
  func.func @transform_3(%arg0: i32) -> (i32, i32) {
    %c0_i32 = arith.constant 0 : i32
    %c0_i32_0 = arith.constant 0 : i32
    %c0_i32_1 = arith.constant 0 : i32
    return %c0_i32, %c0_i32_0 : i32, i32
  }
  func.func @transform_4(%arg0: i32) -> (i32, i32) {
    %c0_i32 = arith.constant 0 : i32
    %c0_i32_0 = arith.constant 0 : i32
    %c0_i32_1 = arith.constant 0 : i32
    return %c0_i32, %c0_i32_0 : i32, i32
  }
  func.func @transform_5(%arg0: i32) -> (i32, i32) {
    %c0_i32 = arith.constant 0 : i32
    %c0_i32_0 = arith.constant 0 : i32
    %c0_i32_1 = arith.constant 0 : i32
    return %c0_i32, %c0_i32_0 : i32, i32
  }
  func.func @transform_6(%arg0: i32) -> (i32, i32) {
    %c0_i32 = arith.constant 0 : i32
    %c0_i32_0 = arith.constant 0 : i32
    %c0_i32_1 = arith.constant 0 : i32
    return %c0_i32, %c0_i32_0 : i32, i32
  }
  func.func @transform_7(%arg0: i32) -> (i32, i32) {
    %c0_i32 = arith.constant 0 : i32
    %c0_i32_0 = arith.constant 0 : i32
    %c0_i32_1 = arith.constant 0 : i32
    return %c0_i32, %c0_i32_0 : i32, i32
  }
  func.func @transform_8(%arg0: i32) -> (i32, i32) {
    %c0_i32 = arith.constant 0 : i32
    %c0_i32_0 = arith.constant 0 : i32
    %c0_i32_1 = arith.constant 0 : i32
    return %c0_i32, %c0_i32_0 : i32, i32
  }
  func.func @transform_9(%arg0: i32) -> (i32, i32) {
    %c0_i32 = arith.constant 0 : i32
    %c0_i32_0 = arith.constant 0 : i32
    %c0_i32_1 = arith.constant 0 : i32
    return %c0_i32, %c0_i32_0 : i32, i32
  }
  func.func @transform_10(%arg0: i32) -> (i32, i32) {
    %c0_i32 = arith.constant 0 : i32
    %c0_i32_0 = arith.constant 0 : i32
    %c0_i32_1 = arith.constant 0 : i32
    return %c0_i32, %c0_i32_0 : i32, i32
  }
  func.func @transform_11(%arg0: i32) -> (i32, i32) {
    %c0_i32 = arith.constant 0 : i32
    %c0_i32_0 = arith.constant 0 : i32
    %c0_i32_1 = arith.constant 0 : i32
    return %c0_i32, %c0_i32_0 : i32, i32
  }
  func.func @transform_12(%arg0: i32) -> (i32, i32) {
    %c0_i32 = arith.constant 0 : i32
    %c0_i32_0 = arith.constant 0 : i32
    %c0_i32_1 = arith.constant 0 : i32
    return %c0_i32, %c0_i32_0 : i32, i32
  }
  func.func @transform_13(%arg0: i32) -> (i32, i32) {
    %c0_i32 = arith.constant 0 : i32
    %c0_i32_0 = arith.constant 0 : i32
    return %arg0, %c0_i32 : i32, i32
  }
}

module attributes {stable_mosaic.version = 14 : i64} {
  func.func @body(%arg0: i32, %arg1: memref<2000x8xf32, #tpu.memory_space<vmem>>, %arg2: memref<2x2000x16xf32, #tpu.memory_space<vmem>>, %arg3: memref<8x16xf32, #tpu.memory_space<vmem>>, %arg4: memref<1x16xf32, #tpu.memory_space<vmem>>, %arg5: memref<8x16xf32, #tpu.memory_space<vmem>>, %arg6: memref<16x16xf32, #tpu.memory_space<vmem>>, %arg7: memref<1x16xf32, #tpu.memory_space<vmem>>, %arg8: memref<2000x16xf32, #tpu.memory_space<vmem>>) attributes {dimension_semantics = [#tpu.dimension_semantics<arbitrary>], iteration_bounds = array<i64: 5>, scalar_prefetch = 0 : i64, scratch_operands = 0 : i64, tpu.core_type = #tpu.core_type<tc>, window_params = [{transform_indices = @transform_0, window_bounds = array<i64: 2000, 8>}, {transform_indices = @transform_1, window_bounds = array<i64: 2, 2000, 16>}, {pipeline_mode = #tpu.pipeline_mode<synchronous>, transform_indices = @transform_2, window_bounds = array<i64: 8, 16>}, {pipeline_mode = #tpu.pipeline_mode<synchronous>, transform_indices = @transform_3, window_bounds = array<i64: 1, 16>}, {pipeline_mode = #tpu.pipeline_mode<synchronous>, transform_indices = @transform_4, window_bounds = array<i64: 8, 16>}, {pipeline_mode = #tpu.pipeline_mode<synchronous>, transform_indices = @transform_5, window_bounds = array<i64: 16, 16>}, {pipeline_mode = #tpu.pipeline_mode<synchronous>, transform_indices = @transform_6, window_bounds = array<i64: 1, 16>}, {transform_indices = @transform_7, window_bounds = array<i64: 2000, 16>}]} {
    %get3A = arith.constant 0 : index
    %get3A_0 = arith.constant 0 : index
    %get3A_1 = vector.load %arg1[%get3A, %get3A_0] : memref<2000x8xf32, #tpu.memory_space<vmem>>, vector<2000x8xf32>
    %get3A_2 = arith.constant 0 : index
    %get3A_3 = arith.constant 0 : index
    %get3A_4 = arith.constant 0 : index
    %get3A_5 = vector.load %arg2[%get3A_2, %get3A_3, %get3A_4] : memref<2x2000x16xf32, #tpu.memory_space<vmem>>, vector<1x2000x16xf32>
    %get3A_6 = vector.shape_cast %get3A_5 : vector<1x2000x16xf32> to vector<2000x16xf32>
    %get3A_7 = arith.constant 1 : index
    %get3A_8 = arith.constant 0 : index
    %get3A_9 = arith.constant 0 : index
    %get3A_10 = vector.load %arg2[%get3A_7, %get3A_8, %get3A_9] : memref<2x2000x16xf32, #tpu.memory_space<vmem>>, vector<1x2000x16xf32>
    %get3A_11 = vector.shape_cast %get3A_10 : vector<1x2000x16xf32> to vector<2000x16xf32>
    %add3A = arith.addf %get3A_6, %get3A_11 : vector<2000x16xf32>
    %get3A_12 = arith.constant 0 : index
    %get3A_13 = arith.constant 0 : index
    %get3A_14 = vector.load %arg3[%get3A_12, %get3A_13] : memref<8x16xf32, #tpu.memory_space<vmem>>, vector<8x16xf32>
    %dot_general3A = arith.constant dense<0.000000e+00> : vector<2000x16xf32>
    %dot_general3A_15 = tpu.matmul %get3A_1, %get3A_14, %dot_general3A {dimension_numbers = #tpu.dot_dimension_numbers<[1], [0], [0], [1], [0, 0, 1, 1], [], []>, precision = #tpu.contract_precision<fp32>, transpose_lhs_hint = false} : vector<2000x8xf32>, vector<8x16xf32>, vector<2000x16xf32> -> vector<2000x16xf32>
    %add3A_16 = arith.addf %add3A, %dot_general3A_15 : vector<2000x16xf32>
    %get3A_17 = arith.constant 0 : index
    %get3A_18 = arith.constant 0 : index
    %get3A_19 = vector.load %arg4[%get3A_17, %get3A_18] : memref<1x16xf32, #tpu.memory_space<vmem>>, vector<1x16xf32>
    %add3A_20 = vector.broadcast %get3A_19 : vector<1x16xf32> to vector<2000x16xf32>
    %add3A_21 = arith.addf %add3A_16, %add3A_20 : vector<2000x16xf32>
    %max3A = arith.constant 0.000000e+00 : f32
    %max3A_22 = vector.broadcast %max3A : f32 to vector<2000x16xf32>
    %max3A_23 = arith.maximumf %add3A_21, %max3A_22 : vector<2000x16xf32>
    %get3A_24 = arith.constant 0 : index
    %get3A_25 = arith.constant 0 : index
    %get3A_26 = vector.load %arg5[%get3A_24, %get3A_25] : memref<8x16xf32, #tpu.memory_space<vmem>>, vector<8x16xf32>
    %dot_general3A_27 = arith.constant dense<0.000000e+00> : vector<2000x16xf32>
    %dot_general3A_28 = tpu.matmul %get3A_1, %get3A_26, %dot_general3A_27 {dimension_numbers = #tpu.dot_dimension_numbers<[1], [0], [0], [1], [0, 0, 1, 1], [], []>, precision = #tpu.contract_precision<fp32>, transpose_lhs_hint = false} : vector<2000x8xf32>, vector<8x16xf32>, vector<2000x16xf32> -> vector<2000x16xf32>
    %get3A_29 = arith.constant 0 : index
    %get3A_30 = arith.constant 0 : index
    %get3A_31 = vector.load %arg6[%get3A_29, %get3A_30] : memref<16x16xf32, #tpu.memory_space<vmem>>, vector<16x16xf32>
    %dot_general3A_32 = arith.constant dense<0.000000e+00> : vector<2000x16xf32>
    %dot_general3A_33 = tpu.matmul %max3A_23, %get3A_31, %dot_general3A_32 {dimension_numbers = #tpu.dot_dimension_numbers<[1], [0], [0], [1], [0, 0, 1, 1], [], []>, precision = #tpu.contract_precision<fp32>, transpose_lhs_hint = false} : vector<2000x16xf32>, vector<16x16xf32>, vector<2000x16xf32> -> vector<2000x16xf32>
    %add3A_34 = arith.addf %dot_general3A_28, %dot_general3A_33 : vector<2000x16xf32>
    %get3A_35 = arith.constant 0 : index
    %get3A_36 = arith.constant 0 : index
    %get3A_37 = vector.load %arg7[%get3A_35, %get3A_36] : memref<1x16xf32, #tpu.memory_space<vmem>>, vector<1x16xf32>
    %add3A_38 = vector.broadcast %get3A_37 : vector<1x16xf32> to vector<2000x16xf32>
    %add3A_39 = arith.addf %add3A_34, %add3A_38 : vector<2000x16xf32>
    %reduce_max3A = arith.constant dense<0xFF800000> : vector<2000xf32>
    %reduce_max3A_40 = vector.multi_reduction <maximumf>, %add3A_39, %reduce_max3A [1] : vector<2000x16xf32> to vector<2000xf32>
    %broadcast_in_dim3A = vector.shape_cast %reduce_max3A_40 : vector<2000xf32> to vector<2000x1xf32>
    %sub3A = vector.broadcast %broadcast_in_dim3A : vector<2000x1xf32> to vector<2000x16xf32>
    %sub3A_41 = arith.subf %add3A_39, %sub3A : vector<2000x16xf32>
    %exp3A = math.exp %sub3A_41 : vector<2000x16xf32>
    %reduce_sum3A = arith.constant dense<0.000000e+00> : vector<2000xf32>
    %reduce_sum3A_42 = vector.multi_reduction <add>, %exp3A, %reduce_sum3A [1] : vector<2000x16xf32> to vector<2000xf32>
    %broadcast_in_dim3A_43 = vector.shape_cast %reduce_sum3A_42 : vector<2000xf32> to vector<2000x1xf32>
    %log3A = math.log %broadcast_in_dim3A_43 : vector<2000x1xf32>
    %sub3A_44 = vector.broadcast %log3A : vector<2000x1xf32> to vector<2000x16xf32>
    %sub3A_45 = arith.subf %sub3A_41, %sub3A_44 : vector<2000x16xf32>
    %swap3A = arith.constant 0 : index
    %swap3A_46 = arith.constant 0 : index
    %swap3A_47 = vector.load %arg8[%swap3A, %swap3A_46] : memref<2000x16xf32, #tpu.memory_space<vmem>>, vector<2000x16xf32>
    tpu.vector_store %arg8[%swap3A, %swap3A_46], %sub3A_45 {strides = array<i32>} : memref<2000x16xf32, #tpu.memory_space<vmem>>, vector<2000x16xf32>,
    return
  }
  func.func @transform_0(%arg0: i32) -> (i32, i32) {
    %c0_i32 = arith.constant 0 : i32
    %c0_i32_0 = arith.constant 0 : i32
    return %arg0, %c0_i32 : i32, i32
  }
  func.func @transform_1(%arg0: i32) -> (i32, i32, i32) {
    %c0_i32 = arith.constant 0 : i32
    %c0_i32_0 = arith.constant 0 : i32
    %c0_i32_1 = arith.constant 0 : i32
    return %c0_i32, %arg0, %c0_i32_0 : i32, i32, i32
  }
  func.func @transform_2(%arg0: i32) -> (i32, i32) {
    %c0_i32 = arith.constant 0 : i32
    %c0_i32_0 = arith.constant 0 : i32
    %c0_i32_1 = arith.constant 0 : i32
    return %c0_i32, %c0_i32_0 : i32, i32
  }
  func.func @transform_3(%arg0: i32) -> (i32, i32) {
    %c0_i32 = arith.constant 0 : i32
    %c0_i32_0 = arith.constant 0 : i32
    %c0_i32_1 = arith.constant 0 : i32
    return %c0_i32, %c0_i32_0 : i32, i32
  }
  func.func @transform_4(%arg0: i32) -> (i32, i32) {
    %c0_i32 = arith.constant 0 : i32
    %c0_i32_0 = arith.constant 0 : i32
    %c0_i32_1 = arith.constant 0 : i32
    return %c0_i32, %c0_i32_0 : i32, i32
  }
  func.func @transform_5(%arg0: i32) -> (i32, i32) {
    %c0_i32 = arith.constant 0 : i32
    %c0_i32_0 = arith.constant 0 : i32
    %c0_i32_1 = arith.constant 0 : i32
    return %c0_i32, %c0_i32_0 : i32, i32
  }
  func.func @transform_6(%arg0: i32) -> (i32, i32) {
    %c0_i32 = arith.constant 0 : i32
    %c0_i32_0 = arith.constant 0 : i32
    %c0_i32_1 = arith.constant 0 : i32
    return %c0_i32, %c0_i32_0 : i32, i32
  }
  func.func @transform_7(%arg0: i32) -> (i32, i32) {
    %c0_i32 = arith.constant 0 : i32
    %c0_i32_0 = arith.constant 0 : i32
    return %arg0, %c0_i32 : i32, i32
  }
}

</mosaic_0001>

<sc_bundles>
// kernel: kernel.12.cloned.1.call-start
scs
__scs_entry_jumppad:
0x0: {  	(pc) =	sbr.rel $0x88, $3  }
0x1: {  	(tag) =	ssettag $0x0;
	lr =	simm.s32 $0x1  }
0x2: {  	[smem:$0x3F7F] =	sst lr;
	_ =	strace $0xD0000000  }
0x3: {  	_ = 	snop  }
0x4: {  	_ = 	snop  }
0x5: {  	_ = 	snop  }
0x6: {  	_ = 	snop  }
0x7: {  	_ = 	snop  }
__scs_overlays_trampoline_lowered:
0x8: {  	[smem:$0x3F8E] =	sst s0  }
0x9: {  	[smem:$0x3F8F] =	sst s1  }
0xa: {  	[smem:$0x3F90] =	sst s2  }
0xb: {  	[smem:$0x3F91] =	sst s3  }
0xc: {  	[smem:$0x3F92] =	sst s4  }
0xd: {  	[smem:$0x3F93] =	sst s5  }
0xe: {  	[smem:$0x3F94] =	sst s6  }
0xf: {  	[smem:$0x3F95] =	sst s7  }
0x10: {  	[smem:$0x3F96] =	sst s8  }
0x11: {  	[smem:$0x3F97] =	sst s9;
	s0 =	simm.s32 @!p0 $0x0  }
0x12: {  	s1 =	sld [smem:$0x3F7D];
	s0 =	simm.s32 @p0 $0x1  }
0x13: {  	[smem:$0x3F98] =	sst s0;
	s0 =	simm.s32 @!p1 $0x0  }
0x14: {  	s2 =	sld [smem:$0x3F7C];
	s0 =	simm.s32 @p1 $0x1  }
0x15: {  	[smem:$0x3F99] =	sst s0;
	s0 =	simm.s32 @!p2 $0x0  }
0x16: {  	s3 =	sld [smem:$0x3FDB];
	s0 =	simm.s32 @p2 $0x1  }
0x17: {  	s4 =	simm.s32 $0x1BF5;
	[smem:$0x3F9B] =	sst s0  }
0x18: {  	s0 =	sld [smem:$0x3F7E];
	_ =	swait.ge [sflag:s4], $0x0  }
0x19: {  	s7 =	sld [smem:$0x3F7F]  }
0x1a: {  	s8 =	sadd.s32 $0xFFFFE003, lr  }
0x1b: {  	s9 =	sadd.s32 $0xFFFFFEF7, lr;
	s5 =	simm.s32 $0xFFFFFFFF;
	p2 =	slt.u32 s8, $0xFFFFF086  }
0x1c: {  	p1 =	slt.u32 s9, $0xF7A;
	s5 =	simm.s32 @!p2 $0x0  }
0x1d: {  	s5 =	simm.s32 @p1 $0x1;
	p0 =	seq.s32 s7, s2  }
0x1e: {  	s7 =	smul.u32 @!p0 $0xF7A, s2;
	p2 =	seq.s32 @!p0 s5, $0x0  }
0x1f: {  	s9 =	smul.u32 $0xF7A, s1;
	s8 =	simm.s32 @!p0 $0x1BF5;
	p2 =	por !p2, p0  }
0x20: {  	[sflag:s8] =	ssyncset.s32 @!p0 $0xFFFFF086;
	s6 =	sadd.s32 @!p0 s3, s7;
	s7 =	simm.s32 @!p0 $0x108  }
0x21: {  	s3 =	sadd.s32 s3, s9;
	s6 =	sadd.s32 @!p0 $0x88, s6;
	s7 =	simm.s32 @p2 $0x1082  }
0x22: {  	[simem:s7], [sflag:s8] =	dma.local @!p0 [hbm:s6], $0xF7A  }
0x23: {  	s9 =	sor.u32 $0xD0000000, s2;
	s6 =	simm.s32 $0x108;
	_ =	swait.ge @!p0 [sflag:s8], $0x0  }
0x24: {  	s3 =	sadd.s32 $0x88, s3;
	s6 =	simm.s32 @!p1 $0x1082;
	[sflag:s4] =	ssyncset.s32 $0xFFFFF086  }
0x25: {  	[simem:s6], [sflag:s4] =	dma.local [hbm:s3], $0xF7A  }
0x26: {  	[smem:$0x3F7F] =	sst s1;
	(tag) =	ssettag s2;
	_ =	strace s9  }
0x27: {  	s1 =	sld [smem:$0x3F8F]  }
0x28: {  	s2 =	sld [smem:$0x3F90]  }
0x29: {  	s4 =	sld [smem:$0x3F92]  }
0x2a: {  	p0 =	seq.s32 s5, $0x0;
	s5 =	sld [smem:$0x3F93]  }
0x2b: {  	s6 =	sld [smem:$0x3F94]  }
0x2c: {  	s7 =	sld [smem:$0x3F95]  }
0x2d: {  	s3 =	simm.s32 $0x108;
	s8 =	sld [smem:$0x3F96]  }
0x2e: {  	s3 =	simm.s32 @!p0 $0x1082;
	s9 =	sld [smem:$0x3F97]  }
0x2f: {  	lr =	sadd.s32 s0, s3;
	s0 =	sld [smem:$0x3F8E]  }
0x30: {  	s3 =	sld [smem:$0x3F91]  }
0x31: {  	[smem:$0x3F9A] =	sst s10  }
0x32: {  	s10 =	sld [smem:$0x3F98];
	_ =	sdelay $0x3  }
0x33: {  	p0 =	seq.s32 s10, $0x1;
	s10 =	sld [smem:$0x3F9A];
	_ =	sdelay $0x3  }
0x34: {  	[smem:$0x3F9A] =	sst s10  }
0x35: {  	s10 =	sld [smem:$0x3F99];
	_ =	sdelay $0x3  }
0x36: {  	p1 =	seq.s32 s10, $0x1;
	s10 =	sld [smem:$0x3F9A];
	_ =	sdelay $0x3  }
0x37: {  	[smem:$0x3F9A] =	sst s10  }
0x38: {  	s10 =	sld [smem:$0x3F9B]  }
0x39: {  	_ = 	snop;
	(pc) =	sbr.ind lr, $3  }
0x3a: {  	_ = 	snop  }
0x3b: {  	_ = 	snop  }
0x3c: {  	p2 =	seq.s32 s10, $0x1;
	s10 =	sld [smem:$0x3F9A]  }
0x3d: {  	_ =	shalt  }
0x3e: {  	_ =	shalt  }
0x3f: {  	_ =	shalt  }
0x40: {  	_ =	shalt  }
0x41: {  	_ =	shalt  }
0x42: {  	_ =	shalt  }
0x43: {  	_ =	shalt  }
0x44: {  	_ =	shalt  }
0x45: {  	_ =	shalt  }
0x46: {  	_ =	shalt  }
0x47: {  	_ =	shalt  }
0x48: {  	_ =	shalt  }
0x49: {  	_ =	shalt  }
0x4a: {  	_ =	shalt  }
0x4b: {  	_ =	shalt  }
0x4c: {  	_ =	shalt  }
0x4d: {  	_ =	shalt  }
0x4e: {  	_ =	shalt  }
0x4f: {  	_ =	shalt  }
0x50: {  	_ =	shalt  }
0x51: {  	_ =	shalt  }
0x52: {  	_ =	shalt  }
0x53: {  	_ =	shalt  }
0x54: {  	_ =	shalt  }
0x55: {  	_ =	shalt  }
0x56: {  	_ =	shalt  }
0x57: {  	_ =	shalt  }
0x58: {  	_ =	shalt  }
0x59: {  	_ =	shalt  }
0x5a: {  	_ =	shalt  }
0x5b: {  	_ =	shalt  }
0x5c: {  	_ =	shalt  }
0x5d: {  	_ =	shalt  }
0x5e: {  	_ =	shalt  }
0x5f: {  	_ =	shalt  }
0x60: {  	_ =	shalt  }
0x61: {  	_ =	shalt  }
0x62: {  	_ =	shalt  }
0x63: {  	_ =	shalt  }
0x64: {  	_ =	shalt  }
0x65: {  	_ =	shalt  }
0x66: {  	_ =	shalt  }
0x67: {  	_ =	shalt  }
0x68: {  	_ =	shalt  }
0x69: {  	_ =	shalt  }
0x6a: {  	_ =	shalt  }
0x6b: {  	_ =	shalt  }
0x6c: {  	_ =	shalt  }
0x6d: {  	_ =	shalt  }
0x6e: {  	_ =	shalt  }
0x6f: {  	_ =	shalt  }
0x70: {  	_ =	shalt  }
0x71: {  	_ =	shalt  }
0x72: {  	_ =	shalt  }
0x73: {  	_ =	shalt  }
0x74: {  	_ =	shalt  }
0x75: {  	_ =	shalt  }
0x76: {  	_ =	shalt  }
0x77: {  	_ =	shalt  }
0x78: {  	_ =	shalt  }
0x79: {  	_ =	shalt  }
0x7a: {  	_ =	shalt  }
0x7b: {  	_ =	shalt  }
0x7c: {  	_ =	shalt  }
0x7d: {  	_ =	shalt  }
0x7e: {  	_ =	shalt  }
0x7f: {  	_ =	shalt  }
0x80: {  	_ =	shalt  }
0x81: {  	_ =	shalt  }
0x82: {  	_ =	shalt  }
0x83: {  	_ =	shalt  }
0x84: {  	_ =	shalt  }
0x85: {  	_ =	shalt  }
0x86: {  	_ =	shalt  }
0x87: {  	_ =	shalt  }
.Lfunc_end0:
.L_simem_size_0:
called_computation_lowered:
.L_overlay_start_0:
0x88: {  	s2 =	sld [smem:$0x3FD9]  }
0x89: {  	s3 =	sld [smem:$0x3FFE];
	_ =	sdelay $0x1  }
0x8a: {  	s1 =	srdreg.scid  }
0x8b: {  	s0 =	sand.u32 $0x1, s1  }
0x8c: {  	s17 =	sshll.u32 s0, $0xA;
	s2 =	sadd.s32 s3, s2  }
0x8d: {  	s2 =	sadd.s32 s2, s17  }
0x8e: {  	[smem:$0x3FA6] =	sst s2  }
0x8f: {  	_ = 	snop  }
0x90: {  	s2 =	sld [smem:$0x3FD0];
	(tm) =	ssettm $0x1  }
0x91: {  	s18 =	sld [smem:$0x3FFB];
	_ =	sdelay $0x3  }
0x92: {  	_ =	strace s18  }
0x93: {  	s3 =	sld [smem:$0x3FFC];
	_ =	sdelay $0x3  }
0x94: {  	_ =	strace s3  }
0x95: {  	s3 =	sld [smem:$0x3FFD];
	_ =	sdelay $0x3  }
0x96: {  	_ =	strace s3  }
0x97: {  	_ =	strace $0x8FFFFFFF  }
0x98: {  	s19 =	sld [smem:$0x3FDB];
	_ =	sdelay $0x1  }
0x99: {  	s4 =	simm.s32 $_scs_section_size  }
0x9a: {  	s5 =	simm.s32 $_size__tile_overlayer_lowered;
	s6 =	simm.s32 $_tile_overlayer_lowered  }
0x9b: {  	s22 =	simm.s32 $0x1BFF;
	s21 =	sshll.u32 s6, $0x1;
	s3 =	sadd.s32 s4, s19  }
0x9c: {  	s7 =	simm.s32 $0x0;
	s20 =	sshll.u32 s5, $0x1;
	s5 =	sadd.s32 s21, s3  }
0x9d: {  	[timem:s7], [sflag:s22] =	dma.local [hbm:s5], s20  }
0x9e: {  	_ =	swait.ge [sflag:s22], s20  }
0x9f: {  	s4 =	ssub.s32 $0x0, s20;
	[sflag:s22] =	ssyncset.done $0x0  }
0xa0: {  	[sflag:s22] =	ssyncadd.s32 s4;
	_ =	sdelay $0x1  }
0xa1: {  	s23 =	simm.s32 $0x1B8B  }
0xa2: {  	_ =	swait.ge [sflag:s23], $0x1  }
0xa3: {  	[sflag:s23] =	ssyncset.done $0x0  }
0xa4: {  	s25 =	simm.s32 $0x1B8E;
	s24 =	sld [smem:$0x3FFE];
	[sflag:s23] =	ssyncadd.s32 $0xFFFFFFFF  }
0xa5: {  	s26 =	simm.s32 $execute0_lowered;
	[smem:$0x3FD2] =	sst s25  }
0xa6: {  	s5 =	sshll.u32 s26, $0x1;
	_ =	strace $0x80000046;
	[dreg:$0x1] =	wrdreg $0xFFFFFFFF  }
0xa7: {  	s28 =	simm.s32 $_size_execute0_lowered;
	s3 =	sadd.s32 s3, s5;
	[dreg:$0x0] =	wrdreg $0x0  }
0xa8: {  	s5 =	sshll.u32 s28, $0x1;
	[dreg:$0x2] =	wrdreg s3  }
0xa9: {  	[dreg:$0x3] =	wrdreg s5  }
0xaa: {  	[dreg:$0x4] =	wrdreg $0xC0  }
0xab: {  	_ =	task [dreg:s7], $0x5FFFF  }
0xac: {  	[dreg:$0x1] =	wrdreg $0xFFFFFFFF  }
0xad: {  	[dreg:$0x0] =	wrdreg $0x60  }
0xae: {  	[dreg:$0x2] =	wrdreg s2  }
0xaf: {  	[dreg:$0x3] =	wrdreg s24  }
0xb0: {  	[dreg:$0x4] =	wrdreg $0x9  }
0xb1: {  	_ =	task.clear_ibuf [dreg:s7], $0x5FFFF;
	_ =	strace $0x90000046  }
0xb2: {  	s29 =	simm.s32 $0x9;
	_ =	strace $0x80000048  }
0xb3: {  	_ =	swait.ge [sflag:s29], $0x1  }
0xb4: {  	[sflag:s29] =	ssyncadd.s32 $0xFFFFFFFF  }
0xb5: {  	_ =	strace $0x90000048  }
0xb6: {  	_ =	sfence  }
0xb7: {  	s30 =	sld [smem:$0x0];
	_ =	sdelay $0x2  }
0xb8: {  	s31 =	sshll.u32 s1, $0xD;
	s1 =	sshrl.u32 s1, $0x2  }
0xb9: {  	s3 =	sand.u32 $0x4000, s31;
	s1 =	sadd.s32 s1, s30  }
0xba: {  	s0 =	sor.u32 s3, s0;
	s1 =	sshll.u32 s1, $0x11  }
0xbb: {  	s0 =	sor.u32 s1, s0  }
0xbc: {  	s0 =	sadd.s32 $0x8F2B, s0  }
0xbd: {  	[sflag:s0] =	ssyncadd.remote.s32 $0x1  }
0xbe: {  	_ =	sfence.sel $0xFFFF  }
0xbf: {  	[dreg:$0x0] =	wrdreg $0xFFFFFFFF;
	(pc) =	sbr.abs _section_cstart, $3  }
0xc0: {  	[dreg:$0x1] =	wrdreg $0xFFFFFFFF  }
0xc1: {  	_ =	task.clear_ibuf [dreg:s7], $0x2FFFF;
	_ =	strace $0x9FFFFFFF  }
0xc2: {  	(tm) =	ssettm $0x7FFFFFFF  }
0xc3: {  	_ =	shalt  }
tec
execute0_lowered:
.L_overlay_start_1:
0x0: {  	(tag) =	ssettag $0x1  }
0x1: {  	s1 =	srdreg.scid;
	s0 =	stileid.u32  }
0x2: {  	s10 =	sand.u32 $0x1, s1;
	s26 =	sshll.u32 s0, $0x1  }
0x3: {  	s2 =	rddreg [dreg:$0x0];
	s8 =	sor.u32 s10, s26  }
0x4: {  	s9 =	rddreg [dreg:$0x1];
	s11 =	smul.u32 $0x2710, s8  }
0x5: {  	s3 =	simm.s32 $0x0;
	s1 =	rddreg [dreg:$0x2]  }
0x6: {  	[smem:$0x7FF] =	sst s3;
	s12 =	sadd.s32 $0x2E800, s9;
	s4 =	sshrl.u32 s11, $0x3  }
0x7: {  	_ =	strace $0x80000047;
	s5 =	sadd.s32 s12, s4;
	s4 =	simm.s32 $0x2  }
0x8: {  	[tilespmem:s3], [sflag:$0x2] =	stream.linear.gather [hbm4b:s5+s3], $0x1388, $0x38;
	[tilespmem:$0x14C08] =	vst v63  }
0x9: {  	_ =	swait.ge [sflag:s4], $0x1388  }
0xa: {  	[sflag:s4] =	ssyncset.done $0x0  }
0xb: {  	s6 =	simm.s32 $0x1388;
	s7 =	simm.s32 $0x1;
	[sflag:s4] =	ssyncadd.s32 $0xFFFFEC78  }
0xc: {  	[tilespmem:s6], [sflag:$0x1] =	stream.indirect.gather [hbm4b:s2+s6], $0x10, s3, s6, $0xb8;
	[tilespmem:$0x14C08] =	vst v63  }
0xd: {  	s8 =	smul.u32 $0x4E20, s8;
	_ =	swait.ge [sflag:s7], $0x13880  }
0xe: {  	s13 =	sadd.s32 $0x42400, s9;
	[sflag:s7] =	ssyncset.done $0x0  }
0xf: {  	s8 =	sadd.s32 s13, s8;
	[sflag:s7] =	ssyncadd.s32 $0xFFFEC780  }
0x10: {  	[hbm4b:s8+s3] =	stream.linear.scatter [tilespmem:s6], [sflag:$0x2], $0x13880, $0x38;
	[tilespmem:$0x14C08] =	vst v63  }
0x11: {  	s11 =	sadd.s32 $0x1388, s11;
	_ =	swait.ge [sflag:s4], $0x13880  }
0x12: {  	s28 =	sshrl.u32 s11, $0x3;
	[sflag:s4] =	ssyncset.done $0x0  }
0x13: {  	s10 =	ssub.s32 $0x2, s10;
	s9 =	sadd.s32 s12, s28;
	[sflag:s4] =	ssyncadd.s32 $0xFFFEC780  }
0x14: {  	[tilespmem:s3], [sflag:$0x2] =	stream.linear.gather [hbm4b:s9+s3], $0x1388, $0x38;
	[tilespmem:$0x14C08] =	vst v63  }
0x15: {  	s29 =	sshrl.u32 s10, $0x1;
	_ =	swait.ge [sflag:s4], $0x1388  }
0x16: {  	s12 =	ssub.s32 s10, s29;
	[sflag:s4] =	ssyncset.done $0x0  }
0x17: {  	s31 =	smax.u32 s12, $0x1;
	[sflag:s4] =	ssyncadd.s32 $0xFFFFEC78  }
0x18: {  	[tilespmem:s6], [sflag:$0x1] =	stream.indirect.gather [hbm4b:s2+s6], $0x10, s3, s6, $0xb8;
	[tilespmem:$0x14C08] =	vst v63  }
0x19: {  	p0 =	sne.s32 s31, $0x1;
	_ =	swait.ge [sflag:s7], $0x13880  }
.Ltmp0:
0x1a: {  	s30 =	sshll.u32 s11, $0x1;
	[sflag:s7] =	ssyncset.done $0x0;
	(pc) =	sbr.rel @!p0 .LBB2_2-.Ltmp0, $4  }
0x1b: {  	s10 =	sadd.s32 s13, s30;
	[sflag:s7] =	ssyncadd.s32 $0xFFFEC780  }
0x1c: {  	[hbm4b:s10+s3] =	stream.linear.scatter [tilespmem:s6], [sflag:$0x2], $0x13880, $0x38;
	[tilespmem:$0x14C08] =	vst v63  }
0x1d: {  	_ =	swait.ge [sflag:s4], $0x13880  }
0x1e: {  	s11 =	sadd.s32 $0xFFFFFFFF, s31;
	[sflag:s4] =	ssyncset.done $0x0  }
.LBB2_1:
0x1f: {  	p0 =	sne.s32 s11, $0x1;
	s11 =	sadd.s32 $0xFFFFFFFF, s11;
	[sflag:s4] =	ssyncadd.s32 $0xFFFEC780  }
0x20: {  	[tilespmem:s3], [sflag:$0x2] =	stream.linear.gather [hbm4b:s5+s3], $0x1388, $0x38;
	[tilespmem:$0x14C08] =	vst v63  }
0x21: {  	_ =	swait.ge [sflag:s4], $0x1388  }
0x22: {  	[sflag:s4] =	ssyncset.done $0x0  }
0x23: {  	[sflag:s4] =	ssyncadd.s32 $0xFFFFEC78  }
0x24: {  	[tilespmem:s6], [sflag:$0x1] =	stream.indirect.gather [hbm4b:s2+s6], $0x10, s3, s6, $0xb8;
	[tilespmem:$0x14C08] =	vst v63  }
0x25: {  	_ =	swait.ge [sflag:s7], $0x13880  }
0x26: {  	[sflag:s7] =	ssyncset.done $0x0  }
0x27: {  	[sflag:s7] =	ssyncadd.s32 $0xFFFEC780  }
0x28: {  	[hbm4b:s8+s3] =	stream.linear.scatter [tilespmem:s6], [sflag:$0x2], $0x13880, $0x38;
	[tilespmem:$0x14C08] =	vst v63  }
0x29: {  	_ =	swait.ge [sflag:s4], $0x13880  }
0x2a: {  	[sflag:s4] =	ssyncset.done $0x0  }
0x2b: {  	[sflag:s4] =	ssyncadd.s32 $0xFFFEC780  }
0x2c: {  	[tilespmem:s3], [sflag:$0x2] =	stream.linear.gather [hbm4b:s9+s3], $0x1388, $0x38;
	[tilespmem:$0x14C08] =	vst v63  }
0x2d: {  	_ =	swait.ge [sflag:s4], $0x1388  }
0x2e: {  	[sflag:s4] =	ssyncset.done $0x0  }
0x2f: {  	[sflag:s4] =	ssyncadd.s32 $0xFFFFEC78  }
0x30: {  	[tilespmem:s6], [sflag:$0x1] =	stream.indirect.gather [hbm4b:s2+s6], $0x10, s3, s6, $0xb8;
	[tilespmem:$0x14C08] =	vst v63  }
0x31: {  	_ =	swait.ge [sflag:s7], $0x13880  }
.Ltmp1:
0x32: {  	[sflag:s7] =	ssyncset.done $0x0;
	(pc) =	sbr.rel @p0 .LBB2_1-.Ltmp1, $4  }
0x33: {  	[sflag:s7] =	ssyncadd.s32 $0xFFFEC780  }
0x34: {  	[hbm4b:s10+s3] =	stream.linear.scatter [tilespmem:s6], [sflag:$0x2], $0x13880, $0x38;
	[tilespmem:$0x14C08] =	vst v63  }
0x35: {  	_ =	swait.ge [sflag:s4], $0x13880  }
0x36: {  	[sflag:s4] =	ssyncset.done $0x0  }
.LBB2_2:
0x37: {  	[sflag:s4] =	ssyncadd.s32 $0xFFFEC780  }
0x38: {  	_ =	sfence.sel $0x180000  }
0x39: {  	[bflag:$0x0] =	sbarrier.arrive $0xFFFF  }
0x3a: {  	p0 =	sne.s32 s0, $0x0;
	_ =	strace $0x90000047  }
0x3b: {  	s0 =	sadd.s32 @!p0 $0x100000, s1;
	[bflag:$0x2] =	sbarrier.arrive $0xFFFF  }
0x3c: {  	[sflag:s0] =	ssyncadd.tile.s32 @!p0 $0x1;
	_ =	shalt  }
.Lfunc_end2:
_tile_overlayer_lowered:
.L_overlay_start_2:
0x3d: {  	(tag) =	ssettag $0x2  }
0x3e: {  	s0 =	rddreg [dreg:$0x0];
	s2 =	stileid.u32  }
0x3f: {  	s1 =	rddreg [dreg:$0x1];
	p0 =	sne.s32 s2, $0x0  }
0x40: {  	s3 =	rddreg [dreg:$0x2];
	[bflag:$0x3] =	sbarrier.arrive $0xFFFF;
	s2 =	simm.s32 @!p0 $0x1C02  }
0x41: {  	[timem:s3], [sflag:s2] =	dma.local @!p0 [hbm:s0], s1  }
0x42: {  	s0 =	simm.s32 @!p0 $0x2  }
0x43: {  	_ =	swait.ge @!p0 [sflag:s0], s1  }
0x44: {  	s1 =	ssub.s32 @!p0 $0x0, s1;
	[sflag:s0] =	ssyncset.done @!p0 $0x0  }
0x45: {  	[sflag:s0] =	ssyncadd.s32 @!p0 s1  }
0x46: {  	[bflag:$0x3] =	sbarrier.arrive $0xFFFF  }
0x47: {  	_ =	shalt  }

// kernel: kernel.15.cloned.1.call-start
scs
__scs_entry_jumppad:
0x0: {  	(pc) =	sbr.rel $0x88, $3  }
0x1: {  	(tag) =	ssettag $0x0;
	lr =	simm.s32 $0x1  }
0x2: {  	[smem:$0x3F7F] =	sst lr;
	_ =	strace $0xD0000000  }
0x3: {  	_ = 	snop  }
0x4: {  	_ = 	snop  }
0x5: {  	_ = 	snop  }
0x6: {  	_ = 	snop  }
0x7: {  	_ = 	snop  }
__scs_overlays_trampoline_lowered:
0x8: {  	[smem:$0x3F8E] =	sst s0  }
0x9: {  	[smem:$0x3F8F] =	sst s1  }
0xa: {  	[smem:$0x3F90] =	sst s2  }
0xb: {  	[smem:$0x3F91] =	sst s3  }
0xc: {  	[smem:$0x3F92] =	sst s4  }
0xd: {  	[smem:$0x3F93] =	sst s5  }
0xe: {  	[smem:$0x3F94] =	sst s6  }
0xf: {  	[smem:$0x3F95] =	sst s7  }
0x10: {  	[smem:$0x3F96] =	sst s8  }
0x11: {  	[smem:$0x3F97] =	sst s9;
	s0 =	simm.s32 @!p0 $0x0  }
0x12: {  	s1 =	sld [smem:$0x3F7D];
	s0 =	simm.s32 @p0 $0x1  }
0x13: {  	[smem:$0x3F98] =	sst s0;
	s0 =	simm.s32 @!p1 $0x0  }
0x14: {  	s2 =	sld [smem:$0x3F7C];
	s0 =	simm.s32 @p1 $0x1  }
0x15: {  	[smem:$0x3F99] =	sst s0;
	s0 =	simm.s32 @!p2 $0x0  }
0x16: {  	s3 =	sld [smem:$0x3FDB];
	s0 =	simm.s32 @p2 $0x1  }
0x17: {  	s4 =	simm.s32 $0x1BF5;
	[smem:$0x3F9B] =	sst s0  }
0x18: {  	s0 =	sld [smem:$0x3F7E];
	_ =	swait.ge [sflag:s4], $0x0  }
0x19: {  	s7 =	sld [smem:$0x3F7F]  }
0x1a: {  	s8 =	sadd.s32 $0xFFFFE003, lr  }
0x1b: {  	s9 =	sadd.s32 $0xFFFFFEF7, lr;
	s5 =	simm.s32 $0xFFFFFFFF;
	p2 =	slt.u32 s8, $0xFFFFF086  }
0x1c: {  	p1 =	slt.u32 s9, $0xF7A;
	s5 =	simm.s32 @!p2 $0x0  }
0x1d: {  	s5 =	simm.s32 @p1 $0x1;
	p0 =	seq.s32 s7, s2  }
0x1e: {  	s7 =	smul.u32 @!p0 $0xF7A, s2;
	p2 =	seq.s32 @!p0 s5, $0x0  }
0x1f: {  	s9 =	smul.u32 $0xF7A, s1;
	s8 =	simm.s32 @!p0 $0x1BF5;
	p2 =	por !p2, p0  }
0x20: {  	[sflag:s8] =	ssyncset.s32 @!p0 $0xFFFFF086;
	s6 =	sadd.s32 @!p0 s3, s7;
	s7 =	simm.s32 @!p0 $0x108  }
0x21: {  	s3 =	sadd.s32 s3, s9;
	s6 =	sadd.s32 @!p0 $0x88, s6;
	s7 =	simm.s32 @p2 $0x1082  }
0x22: {  	[simem:s7], [sflag:s8] =	dma.local @!p0 [hbm:s6], $0xF7A  }
0x23: {  	s9 =	sor.u32 $0xD0000000, s2;
	s6 =	simm.s32 $0x108;
	_ =	swait.ge @!p0 [sflag:s8], $0x0  }
0x24: {  	s3 =	sadd.s32 $0x88, s3;
	s6 =	simm.s32 @!p1 $0x1082;
	[sflag:s4] =	ssyncset.s32 $0xFFFFF086  }
0x25: {  	[simem:s6], [sflag:s4] =	dma.local [hbm:s3], $0xF7A  }
0x26: {  	[smem:$0x3F7F] =	sst s1;
	(tag) =	ssettag s2;
	_ =	strace s9  }
0x27: {  	s1 =	sld [smem:$0x3F8F]  }
0x28: {  	s2 =	sld [smem:$0x3F90]  }
0x29: {  	s4 =	sld [smem:$0x3F92]  }
0x2a: {  	p0 =	seq.s32 s5, $0x0;
	s5 =	sld [smem:$0x3F93]  }
0x2b: {  	s6 =	sld [smem:$0x3F94]  }
0x2c: {  	s7 =	sld [smem:$0x3F95]  }
0x2d: {  	s3 =	simm.s32 $0x108;
	s8 =	sld [smem:$0x3F96]  }
0x2e: {  	s3 =	simm.s32 @!p0 $0x1082;
	s9 =	sld [smem:$0x3F97]  }
0x2f: {  	lr =	sadd.s32 s0, s3;
	s0 =	sld [smem:$0x3F8E]  }
0x30: {  	s3 =	sld [smem:$0x3F91]  }
0x31: {  	[smem:$0x3F9A] =	sst s10  }
0x32: {  	s10 =	sld [smem:$0x3F98];
	_ =	sdelay $0x3  }
0x33: {  	p0 =	seq.s32 s10, $0x1;
	s10 =	sld [smem:$0x3F9A];
	_ =	sdelay $0x3  }
0x34: {  	[smem:$0x3F9A] =	sst s10  }
0x35: {  	s10 =	sld [smem:$0x3F99];
	_ =	sdelay $0x3  }
0x36: {  	p1 =	seq.s32 s10, $0x1;
	s10 =	sld [smem:$0x3F9A];
	_ =	sdelay $0x3  }
0x37: {  	[smem:$0x3F9A] =	sst s10  }
0x38: {  	s10 =	sld [smem:$0x3F9B]  }
0x39: {  	_ = 	snop;
	(pc) =	sbr.ind lr, $3  }
0x3a: {  	_ = 	snop  }
0x3b: {  	_ = 	snop  }
0x3c: {  	p2 =	seq.s32 s10, $0x1;
	s10 =	sld [smem:$0x3F9A]  }
0x3d: {  	_ =	shalt  }
0x3e: {  	_ =	shalt  }
0x3f: {  	_ =	shalt  }
0x40: {  	_ =	shalt  }
0x41: {  	_ =	shalt  }
0x42: {  	_ =	shalt  }
0x43: {  	_ =	shalt  }
0x44: {  	_ =	shalt  }
0x45: {  	_ =	shalt  }
0x46: {  	_ =	shalt  }
0x47: {  	_ =	shalt  }
0x48: {  	_ =	shalt  }
0x49: {  	_ =	shalt  }
0x4a: {  	_ =	shalt  }
0x4b: {  	_ =	shalt  }
0x4c: {  	_ =	shalt  }
0x4d: {  	_ =	shalt  }
0x4e: {  	_ =	shalt  }
0x4f: {  	_ =	shalt  }
0x50: {  	_ =	shalt  }
0x51: {  	_ =	shalt  }
0x52: {  	_ =	shalt  }
0x53: {  	_ =	shalt  }
0x54: {  	_ =	shalt  }
0x55: {  	_ =	shalt  }
0x56: {  	_ =	shalt  }
0x57: {  	_ =	shalt  }
0x58: {  	_ =	shalt  }
0x59: {  	_ =	shalt  }
0x5a: {  	_ =	shalt  }
0x5b: {  	_ =	shalt  }
0x5c: {  	_ =	shalt  }
0x5d: {  	_ =	shalt  }
0x5e: {  	_ =	shalt  }
0x5f: {  	_ =	shalt  }
0x60: {  	_ =	shalt  }
0x61: {  	_ =	shalt  }
0x62: {  	_ =	shalt  }
0x63: {  	_ =	shalt  }
0x64: {  	_ =	shalt  }
0x65: {  	_ =	shalt  }
0x66: {  	_ =	shalt  }
0x67: {  	_ =	shalt  }
0x68: {  	_ =	shalt  }
0x69: {  	_ =	shalt  }
0x6a: {  	_ =	shalt  }
0x6b: {  	_ =	shalt  }
0x6c: {  	_ =	shalt  }
0x6d: {  	_ =	shalt  }
0x6e: {  	_ =	shalt  }
0x6f: {  	_ =	shalt  }
0x70: {  	_ =	shalt  }
0x71: {  	_ =	shalt  }
0x72: {  	_ =	shalt  }
0x73: {  	_ =	shalt  }
0x74: {  	_ =	shalt  }
0x75: {  	_ =	shalt  }
0x76: {  	_ =	shalt  }
0x77: {  	_ =	shalt  }
0x78: {  	_ =	shalt  }
0x79: {  	_ =	shalt  }
0x7a: {  	_ =	shalt  }
0x7b: {  	_ =	shalt  }
0x7c: {  	_ =	shalt  }
0x7d: {  	_ =	shalt  }
0x7e: {  	_ =	shalt  }
0x7f: {  	_ =	shalt  }
0x80: {  	_ =	shalt  }
0x81: {  	_ =	shalt  }
0x82: {  	_ =	shalt  }
0x83: {  	_ =	shalt  }
0x84: {  	_ =	shalt  }
0x85: {  	_ =	shalt  }
0x86: {  	_ =	shalt  }
0x87: {  	_ =	shalt  }
.Lfunc_end0:
.L_simem_size_0:
called_computation.1_lowered:
.L_overlay_start_0:
0x88: {  	s2 =	sld [smem:$0x3FD9]  }
0x89: {  	s3 =	sld [smem:$0x3FFE];
	_ =	sdelay $0x1  }
0x8a: {  	s1 =	srdreg.scid  }
0x8b: {  	s0 =	sand.u32 $0x1, s1  }
0x8c: {  	s17 =	sshll.u32 s0, $0xA;
	s2 =	sadd.s32 s3, s2  }
0x8d: {  	s2 =	sadd.s32 s2, s17  }
0x8e: {  	[smem:$0x3FA6] =	sst s2  }
0x8f: {  	_ = 	snop  }
0x90: {  	s2 =	sld [smem:$0x3FD0];
	(tm) =	ssettm $0x1  }
0x91: {  	s18 =	sld [smem:$0x3FFB];
	_ =	sdelay $0x3  }
0x92: {  	_ =	strace s18  }
0x93: {  	s3 =	sld [smem:$0x3FFC];
	_ =	sdelay $0x3  }
0x94: {  	_ =	strace s3  }
0x95: {  	s3 =	sld [smem:$0x3FFD];
	_ =	sdelay $0x3  }
0x96: {  	_ =	strace s3  }
0x97: {  	_ =	strace $0x8FFFFFFF  }
0x98: {  	s19 =	sld [smem:$0x3FDB];
	_ =	sdelay $0x1  }
0x99: {  	s4 =	simm.s32 $_scs_section_size  }
0x9a: {  	s5 =	simm.s32 $_size__tile_overlayer_lowered;
	s6 =	simm.s32 $_tile_overlayer_lowered  }
0x9b: {  	s22 =	simm.s32 $0x1BFF;
	s21 =	sshll.u32 s6, $0x1;
	s3 =	sadd.s32 s4, s19  }
0x9c: {  	s7 =	simm.s32 $0x0;
	s20 =	sshll.u32 s5, $0x1;
	s5 =	sadd.s32 s21, s3  }
0x9d: {  	[timem:s7], [sflag:s22] =	dma.local [hbm:s5], s20  }
0x9e: {  	_ =	swait.ge [sflag:s22], s20  }
0x9f: {  	s4 =	ssub.s32 $0x0, s20;
	[sflag:s22] =	ssyncset.done $0x0  }
0xa0: {  	[sflag:s22] =	ssyncadd.s32 s4;
	_ =	sdelay $0x1  }
0xa1: {  	s23 =	simm.s32 $0x1B8B  }
0xa2: {  	_ =	swait.ge [sflag:s23], $0x1  }
0xa3: {  	[sflag:s23] =	ssyncset.done $0x0  }
0xa4: {  	s25 =	simm.s32 $0x1B8E;
	s24 =	sld [smem:$0x3FFE];
	[sflag:s23] =	ssyncadd.s32 $0xFFFFFFFF  }
0xa5: {  	s26 =	simm.s32 $execute0_lowered;
	[smem:$0x3FD2] =	sst s25  }
0xa6: {  	s5 =	sshll.u32 s26, $0x1;
	_ =	strace $0x80000049;
	[dreg:$0x1] =	wrdreg $0xFFFFFFFF  }
0xa7: {  	s28 =	simm.s32 $_size_execute0_lowered;
	s3 =	sadd.s32 s3, s5;
	[dreg:$0x0] =	wrdreg $0x0  }
0xa8: {  	s5 =	sshll.u32 s28, $0x1;
	[dreg:$0x2] =	wrdreg s3  }
0xa9: {  	[dreg:$0x3] =	wrdreg s5  }
0xaa: {  	[dreg:$0x4] =	wrdreg $0xC0  }
0xab: {  	_ =	task [dreg:s7], $0x5FFFF  }
0xac: {  	[dreg:$0x1] =	wrdreg $0xFFFFFFFF  }
0xad: {  	[dreg:$0x0] =	wrdreg $0x60  }
0xae: {  	[dreg:$0x2] =	wrdreg s24  }
0xaf: {  	[dreg:$0x3] =	wrdreg s2  }
0xb0: {  	[dreg:$0x4] =	wrdreg $0xAFC80  }
0xb1: {  	[dreg:$0x5] =	wrdreg $0x9  }
0xb2: {  	_ =	task.clear_ibuf [dreg:s7], $0x6FFFF;
	_ =	strace $0x90000049  }
0xb3: {  	s29 =	simm.s32 $0x9;
	_ =	strace $0x8000004B  }
0xb4: {  	_ =	swait.ge [sflag:s29], $0x1  }
0xb5: {  	[sflag:s29] =	ssyncadd.s32 $0xFFFFFFFF  }
0xb6: {  	_ =	strace $0x9000004B  }
0xb7: {  	_ =	sfence  }
0xb8: {  	s30 =	sld [smem:$0x0];
	_ =	sdelay $0x2  }
0xb9: {  	s31 =	sshll.u32 s1, $0xD;
	s1 =	sshrl.u32 s1, $0x2  }
0xba: {  	s3 =	sand.u32 $0x4000, s31;
	s1 =	sadd.s32 s1, s30  }
0xbb: {  	s0 =	sor.u32 s3, s0;
	s1 =	sshll.u32 s1, $0x11  }
0xbc: {  	s0 =	sor.u32 s1, s0  }
0xbd: {  	s0 =	sadd.s32 $0x8F2B, s0  }
0xbe: {  	[sflag:s0] =	ssyncadd.remote.s32 $0x1  }
0xbf: {  	_ =	sfence.sel $0xFFFF  }
0xc0: {  	[dreg:$0x0] =	wrdreg $0xFFFFFFFF;
	(pc) =	sbr.abs _section_cstart, $3  }
0xc1: {  	[dreg:$0x1] =	wrdreg $0xFFFFFFFF  }
0xc2: {  	_ =	task.clear_ibuf [dreg:s7], $0x2FFFF;
	_ =	strace $0x9FFFFFFF  }
0xc3: {  	(tm) =	ssettm $0x7FFFFFFF  }
tec
execute0_lowered:
.L_overlay_start_1:
0x0: {  	(tag) =	ssettag $0x1  }
0x1: {  	s9 =	rddreg [dreg:$0x0]  }
0x2: {  	s13 =	rddreg [dreg:$0x1]  }
0x3: {  	s0 =	stileid.u32;
	s2 =	rddreg [dreg:$0x2]  }
0x4: {  	s1 =	rddreg [dreg:$0x3];
	s3 =	simm.s32 $0x0;
	s5 =	srdreg.scid  }
0x5: {  	s14 =	smul.u32 $0x1388, s0;
	[smem:$0x7FF] =	sst s3  }
0x6: {  	s15 =	sand.u32 $0x1, s5;
	s26 =	sshll.u32 s0, $0x1;
	s28 =	sshll.u32 s0, $0x6  }
0x7: {  	_ =	strace $0x8000004A;
	s8 =	sor.u32 s15, s26;
	s4 =	sshrl.u32 s14, $0x3  }
0x8: {  	s5 =	sor.u32 $0x1C01, s28;
	s6 =	sadd.s32 s14, s2;
	s4 =	sadd.s32 s4, s9  }
0x9: {  	s7 =	sshrl.u32 s6, $0x3;
	s6 =	simm.s32 $0x1;
	s4 =	sadd.s32 $0x90600, s4  }
0xa: {  	[spmem:s7], [sflag:s5] =	dma.local [hbm:s4], $0x271  }
0xb: {  	s11 =	smul.u32 $0x2710, s8;
	_ =	swait.ge [sflag:s6], $0x271  }
0xc: {  	[sflag:s6] =	ssyncset.done $0x0  }
0xd: {  	s12 =	sadd.s32 $0x38600, s9;
	s8 =	sshrl.u32 s11, $0x3;
	[sflag:s6] =	ssyncadd.s32 $0xFFFFFD8F  }
0xe: {  	s8 =	sadd.s32 s12, s8;
	[bflag:$0x0] =	sbarrier.arrive $0xFFFF  }
0xf: {  	[tilespmem:s3], [sflag:$0x1] =	stream.linear.gather [hbm4b:s8+s3], $0x1388, $0x38;
	[tilespmem:$0xC350] =	vst v63  }
0x10: {  	_ =	swait.ge [sflag:s6], $0x1388  }
0x11: {  	s16 =	sadd.s32 $0x42400, s9;
	[sflag:s6] =	ssyncset.done $0x0  }
0x12: {  	s10 =	simm.s32 $0x1388;
	s9 =	sadd.s32 s16, s11;
	[sflag:s6] =	ssyncadd.s32 $0xFFFFEC78  }
0x13: {  	[tilespmem:s10], [sflag:$0x1] =	stream.linear.gather [hbm4b:s9+s3], $0x9C40, $0x38;
	[tilespmem:$0xC350] =	vst v63  }
0x14: {  	_ =	swait.ge [sflag:s6], $0x9C40  }
0x15: {  	[sflag:s6] =	ssyncset.done $0x0  }
0x16: {  	[sflag:s6] =	ssyncadd.s32 $0xFFFF63C0  }
0x17: {  	[spmem:s2] =	stream.indirect.scatter.add.f32 [tilespmem:s10], [sflag:$0x1], $0x8, s3, s10, $0xb8;
	[tilespmem:$0xC350] =	vst v63  }
0x18: {  	s17 =	sadd.s32 $0x1388, s11;
	_ =	swait.ge [sflag:s6], $0x9C40  }
0x19: {  	s11 =	sshrl.u32 s17, $0x3;
	[sflag:s6] =	ssyncset.done $0x0  }
0x1a: {  	s11 =	sadd.s32 s12, s11;
	[sflag:s6] =	ssyncadd.s32 $0xFFFF63C0  }
0x1b: {  	[tilespmem:s3], [sflag:$0x1] =	stream.linear.gather [hbm4b:s11+s3], $0x1388, $0x38;
	[tilespmem:$0xC350] =	vst v63  }
0x1c: {  	_ =	swait.ge [sflag:s6], $0x1388  }
0x1d: {  	[sflag:s6] =	ssyncset.done $0x0  }
0x1e: {  	s12 =	sadd.s32 s16, s17;
	[sflag:s6] =	ssyncadd.s32 $0xFFFFEC78  }
0x1f: {  	[tilespmem:s10], [sflag:$0x1] =	stream.linear.gather [hbm4b:s12+s3], $0x9C40, $0x38;
	[tilespmem:$0xC350] =	vst v63  }
0x20: {  	s29 =	smul.u32 $0x13880, s15;
	s15 =	ssub.s32 $0x2, s15;
	_ =	swait.ge [sflag:s6], $0x9C40  }
0x21: {  	s30 =	sshrl.u32 s15, $0x1;
	[sflag:s6] =	ssyncset.done $0x0  }
0x22: {  	s15 =	ssub.s32 s15, s30;
	[sflag:s6] =	ssyncadd.s32 $0xFFFF63C0  }
0x23: {  	[spmem:s2] =	stream.indirect.scatter.add.f32 [tilespmem:s10], [sflag:$0x1], $0x8, s3, s10, $0xb8;
	[tilespmem:$0xC350] =	vst v63  }
0x24: {  	s31 =	smax.u32 s15, $0x1;
	_ =	swait.ge [sflag:s6], $0x9C40  }
0x25: {  	s14 =	sadd.s32 s14, s29;
	p0 =	sne.s32 s31, $0x1;
	[sflag:s6] =	ssyncset.done $0x0  }
.Ltmp0:
0x26: {  	s14 =	sshrl.u32 s14, $0x3;
	[sflag:s6] =	ssyncadd.s32 $0xFFFF63C0;
	(pc) =	sbr.rel @!p0 .LBB2_2-.Ltmp0, $4  }
0x27: {  	s13 =	sadd.s32 s13, s14;
	[bflag:$0x0] =	sbarrier.arrive $0xFFFF  }
0x28: {  	[hbm:s13], [sflag:s5] =	dma.local [spmem:s7], $0x271  }
0x29: {  	_ =	swait.ge [sflag:s6], $0x271  }
0x2a: {  	s14 =	sadd.s32 $0xFFFFFFFF, s31;
	[sflag:s6] =	ssyncset.done $0x0  }
.LBB2_1:
0x2b: {  	p0 =	sne.s32 s14, $0x1;
	s14 =	sadd.s32 $0xFFFFFFFF, s14;
	[sflag:s6] =	ssyncadd.s32 $0xFFFFFD8F  }
0x2c: {  	[spmem:s7], [sflag:s5] =	dma.local [hbm:s4], $0x271  }
0x2d: {  	_ =	swait.ge [sflag:s6], $0x271  }
0x2e: {  	[sflag:s6] =	ssyncset.done $0x0  }
0x2f: {  	[sflag:s6] =	ssyncadd.s32 $0xFFFFFD8F  }
0x30: {  	[bflag:$0x0] =	sbarrier.arrive $0xFFFF  }
0x31: {  	[tilespmem:s3], [sflag:$0x1] =	stream.linear.gather [hbm4b:s8+s3], $0x1388, $0x38;
	[tilespmem:$0xC350] =	vst v63  }
0x32: {  	_ =	swait.ge [sflag:s6], $0x1388  }
0x33: {  	[sflag:s6] =	ssyncset.done $0x0  }
0x34: {  	[sflag:s6] =	ssyncadd.s32 $0xFFFFEC78  }
0x35: {  	[tilespmem:s10], [sflag:$0x1] =	stream.linear.gather [hbm4b:s9+s3], $0x9C40, $0x38;
	[tilespmem:$0xC350] =	vst v63  }
0x36: {  	_ =	swait.ge [sflag:s6], $0x9C40  }
0x37: {  	[sflag:s6] =	ssyncset.done $0x0  }
0x38: {  	[sflag:s6] =	ssyncadd.s32 $0xFFFF63C0  }
0x39: {  	[spmem:s2] =	stream.indirect.scatter.add.f32 [tilespmem:s10], [sflag:$0x1], $0x8, s3, s10, $0xb8;
	[tilespmem:$0xC350] =	vst v63  }
0x3a: {  	_ =	swait.ge [sflag:s6], $0x9C40  }
0x3b: {  	[sflag:s6] =	ssyncset.done $0x0  }
0x3c: {  	[sflag:s6] =	ssyncadd.s32 $0xFFFF63C0  }
0x3d: {  	[tilespmem:s3], [sflag:$0x1] =	stream.linear.gather [hbm4b:s11+s3], $0x1388, $0x38;
	[tilespmem:$0xC350] =	vst v63  }
0x3e: {  	_ =	swait.ge [sflag:s6], $0x1388  }
0x3f: {  	[sflag:s6] =	ssyncset.done $0x0  }
0x40: {  	[sflag:s6] =	ssyncadd.s32 $0xFFFFEC78  }
0x41: {  	[tilespmem:s10], [sflag:$0x1] =	stream.linear.gather [hbm4b:s12+s3], $0x9C40, $0x38;
	[tilespmem:$0xC350] =	vst v63  }
0x42: {  	_ =	swait.ge [sflag:s6], $0x9C40  }
0x43: {  	[sflag:s6] =	ssyncset.done $0x0  }
0x44: {  	[sflag:s6] =	ssyncadd.s32 $0xFFFF63C0  }
0x45: {  	[spmem:s2] =	stream.indirect.scatter.add.f32 [tilespmem:s10], [sflag:$0x1], $0x8, s3, s10, $0xb8;
	[tilespmem:$0xC350] =	vst v63  }
0x46: {  	_ =	swait.ge [sflag:s6], $0x9C40  }
0x47: {  	[sflag:s6] =	ssyncset.done $0x0  }
.Ltmp1:
0x48: {  	[sflag:s6] =	ssyncadd.s32 $0xFFFF63C0;
	(pc) =	sbr.rel @p0 .LBB2_1-.Ltmp1, $4  }
0x49: {  	[bflag:$0x0] =	sbarrier.arrive $0xFFFF  }
0x4a: {  	[hbm:s13], [sflag:s5] =	dma.local [spmem:s7], $0x271  }
0x4b: {  	_ =	swait.ge [sflag:s6], $0x271  }
0x4c: {  	[sflag:s6] =	ssyncset.done $0x0  }
.LBB2_2:
0x4d: {  	[sflag:s6] =	ssyncadd.s32 $0xFFFFFD8F  }
0x4e: {  	_ =	sfence.sel $0x180000  }
0x4f: {  	[bflag:$0x0] =	sbarrier.arrive $0xFFFF  }
0x50: {  	p0 =	sne.s32 s0, $0x0;
	_ =	strace $0x9000004A  }
0x51: {  	s0 =	sadd.s32 @!p0 $0x100000, s1;
	[bflag:$0x2] =	sbarrier.arrive $0xFFFF  }
0x52: {  	[sflag:s0] =	ssyncadd.tile.s32 @!p0 $0x1;
	_ =	shalt  }
.Lfunc_end2:
_tile_overlayer_lowered:
.L_overlay_start_2:
0x53: {  	(tag) =	ssettag $0x2  }
0x54: {  	s0 =	rddreg [dreg:$0x0];
	s2 =	stileid.u32  }
0x55: {  	s1 =	rddreg [dreg:$0x1];
	p0 =	sne.s32 s2, $0x0  }
0x56: {  	s3 =	rddreg [dreg:$0x2];
	[bflag:$0x3] =	sbarrier.arrive $0xFFFF;
	s2 =	simm.s32 @!p0 $0x1C01  }
0x57: {  	[timem:s3], [sflag:s2] =	dma.local @!p0 [hbm:s0], s1  }
0x58: {  	s0 =	simm.s32 @!p0 $0x1  }
0x59: {  	_ =	swait.ge @!p0 [sflag:s0], s1  }
0x5a: {  	s1 =	ssub.s32 @!p0 $0x0, s1;
	[sflag:s0] =	ssyncset.done @!p0 $0x0  }
0x5b: {  	[sflag:s0] =	ssyncadd.s32 @!p0 s1  }
0x5c: {  	[bflag:$0x3] =	sbarrier.arrive $0xFFFF  }
0x5d: {  	_ =	shalt  }

// kernel: kernel.18.cloned.1.call-start
scs
__scs_entry_jumppad:
0x0: {  	(pc) =	sbr.rel $0x88, $3  }
0x1: {  	(tag) =	ssettag $0x0;
	lr =	simm.s32 $0x1  }
0x2: {  	[smem:$0x3F7F] =	sst lr;
	_ =	strace $0xD0000000  }
0x3: {  	_ = 	snop  }
0x4: {  	_ = 	snop  }
0x5: {  	_ = 	snop  }
0x6: {  	_ = 	snop  }
0x7: {  	_ = 	snop  }
__scs_overlays_trampoline_lowered:
0x8: {  	[smem:$0x3F8E] =	sst s0  }
0x9: {  	[smem:$0x3F8F] =	sst s1  }
0xa: {  	[smem:$0x3F90] =	sst s2  }
0xb: {  	[smem:$0x3F91] =	sst s3  }
0xc: {  	[smem:$0x3F92] =	sst s4  }
0xd: {  	[smem:$0x3F93] =	sst s5  }
0xe: {  	[smem:$0x3F94] =	sst s6  }
0xf: {  	[smem:$0x3F95] =	sst s7  }
0x10: {  	[smem:$0x3F96] =	sst s8  }
0x11: {  	[smem:$0x3F97] =	sst s9;
	s0 =	simm.s32 @!p0 $0x0  }
0x12: {  	s1 =	sld [smem:$0x3F7D];
	s0 =	simm.s32 @p0 $0x1  }
0x13: {  	[smem:$0x3F98] =	sst s0;
	s0 =	simm.s32 @!p1 $0x0  }
0x14: {  	s2 =	sld [smem:$0x3F7C];
	s0 =	simm.s32 @p1 $0x1  }
0x15: {  	[smem:$0x3F99] =	sst s0;
	s0 =	simm.s32 @!p2 $0x0  }
0x16: {  	s3 =	sld [smem:$0x3FDB];
	s0 =	simm.s32 @p2 $0x1  }
0x17: {  	s4 =	simm.s32 $0x1BF5;
	[smem:$0x3F9B] =	sst s0  }
0x18: {  	s0 =	sld [smem:$0x3F7E];
	_ =	swait.ge [sflag:s4], $0x0  }
0x19: {  	s7 =	sld [smem:$0x3F7F]  }
0x1a: {  	s8 =	sadd.s32 $0xFFFFE003, lr  }
0x1b: {  	s9 =	sadd.s32 $0xFFFFFEF7, lr;
	s5 =	simm.s32 $0xFFFFFFFF;
	p2 =	slt.u32 s8, $0xFFFFF086  }
0x1c: {  	p1 =	slt.u32 s9, $0xF7A;
	s5 =	simm.s32 @!p2 $0x0  }
0x1d: {  	s5 =	simm.s32 @p1 $0x1;
	p0 =	seq.s32 s7, s2  }
0x1e: {  	s7 =	smul.u32 @!p0 $0xF7A, s2;
	p2 =	seq.s32 @!p0 s5, $0x0  }
0x1f: {  	s9 =	smul.u32 $0xF7A, s1;
	s8 =	simm.s32 @!p0 $0x1BF5;
	p2 =	por !p2, p0  }
0x20: {  	[sflag:s8] =	ssyncset.s32 @!p0 $0xFFFFF086;
	s6 =	sadd.s32 @!p0 s3, s7;
	s7 =	simm.s32 @!p0 $0x108  }
0x21: {  	s3 =	sadd.s32 s3, s9;
	s6 =	sadd.s32 @!p0 $0x88, s6;
	s7 =	simm.s32 @p2 $0x1082  }
0x22: {  	[simem:s7], [sflag:s8] =	dma.local @!p0 [hbm:s6], $0xF7A  }
0x23: {  	s9 =	sor.u32 $0xD0000000, s2;
	s6 =	simm.s32 $0x108;
	_ =	swait.ge @!p0 [sflag:s8], $0x0  }
0x24: {  	s3 =	sadd.s32 $0x88, s3;
	s6 =	simm.s32 @!p1 $0x1082;
	[sflag:s4] =	ssyncset.s32 $0xFFFFF086  }
0x25: {  	[simem:s6], [sflag:s4] =	dma.local [hbm:s3], $0xF7A  }
0x26: {  	[smem:$0x3F7F] =	sst s1;
	(tag) =	ssettag s2;
	_ =	strace s9  }
0x27: {  	s1 =	sld [smem:$0x3F8F]  }
0x28: {  	s2 =	sld [smem:$0x3F90]  }
0x29: {  	s4 =	sld [smem:$0x3F92]  }
0x2a: {  	p0 =	seq.s32 s5, $0x0;
	s5 =	sld [smem:$0x3F93]  }
0x2b: {  	s6 =	sld [smem:$0x3F94]  }
0x2c: {  	s7 =	sld [smem:$0x3F95]  }
0x2d: {  	s3 =	simm.s32 $0x108;
	s8 =	sld [smem:$0x3F96]  }
0x2e: {  	s3 =	simm.s32 @!p0 $0x1082;
	s9 =	sld [smem:$0x3F97]  }
0x2f: {  	lr =	sadd.s32 s0, s3;
	s0 =	sld [smem:$0x3F8E]  }
0x30: {  	s3 =	sld [smem:$0x3F91]  }
0x31: {  	[smem:$0x3F9A] =	sst s10  }
0x32: {  	s10 =	sld [smem:$0x3F98];
	_ =	sdelay $0x3  }
0x33: {  	p0 =	seq.s32 s10, $0x1;
	s10 =	sld [smem:$0x3F9A];
	_ =	sdelay $0x3  }
0x34: {  	[smem:$0x3F9A] =	sst s10  }
0x35: {  	s10 =	sld [smem:$0x3F99];
	_ =	sdelay $0x3  }
0x36: {  	p1 =	seq.s32 s10, $0x1;
	s10 =	sld [smem:$0x3F9A];
	_ =	sdelay $0x3  }
0x37: {  	[smem:$0x3F9A] =	sst s10  }
0x38: {  	s10 =	sld [smem:$0x3F9B]  }
0x39: {  	_ = 	snop;
	(pc) =	sbr.ind lr, $3  }
0x3a: {  	_ = 	snop  }
0x3b: {  	_ = 	snop  }
0x3c: {  	p2 =	seq.s32 s10, $0x1;
	s10 =	sld [smem:$0x3F9A]  }
0x3d: {  	_ =	shalt  }
0x3e: {  	_ =	shalt  }
0x3f: {  	_ =	shalt  }
0x40: {  	_ =	shalt  }
0x41: {  	_ =	shalt  }
0x42: {  	_ =	shalt  }
0x43: {  	_ =	shalt  }
0x44: {  	_ =	shalt  }
0x45: {  	_ =	shalt  }
0x46: {  	_ =	shalt  }
0x47: {  	_ =	shalt  }
0x48: {  	_ =	shalt  }
0x49: {  	_ =	shalt  }
0x4a: {  	_ =	shalt  }
0x4b: {  	_ =	shalt  }
0x4c: {  	_ =	shalt  }
0x4d: {  	_ =	shalt  }
0x4e: {  	_ =	shalt  }
0x4f: {  	_ =	shalt  }
0x50: {  	_ =	shalt  }
0x51: {  	_ =	shalt  }
0x52: {  	_ =	shalt  }
0x53: {  	_ =	shalt  }
0x54: {  	_ =	shalt  }
0x55: {  	_ =	shalt  }
0x56: {  	_ =	shalt  }
0x57: {  	_ =	shalt  }
0x58: {  	_ =	shalt  }
0x59: {  	_ =	shalt  }
0x5a: {  	_ =	shalt  }
0x5b: {  	_ =	shalt  }
0x5c: {  	_ =	shalt  }
0x5d: {  	_ =	shalt  }
0x5e: {  	_ =	shalt  }
0x5f: {  	_ =	shalt  }
0x60: {  	_ =	shalt  }
0x61: {  	_ =	shalt  }
0x62: {  	_ =	shalt  }
0x63: {  	_ =	shalt  }
0x64: {  	_ =	shalt  }
0x65: {  	_ =	shalt  }
0x66: {  	_ =	shalt  }
0x67: {  	_ =	shalt  }
0x68: {  	_ =	shalt  }
0x69: {  	_ =	shalt  }
0x6a: {  	_ =	shalt  }
0x6b: {  	_ =	shalt  }
0x6c: {  	_ =	shalt  }
0x6d: {  	_ =	shalt  }
0x6e: {  	_ =	shalt  }
0x6f: {  	_ =	shalt  }
0x70: {  	_ =	shalt  }
0x71: {  	_ =	shalt  }
0x72: {  	_ =	shalt  }
0x73: {  	_ =	shalt  }
0x74: {  	_ =	shalt  }
0x75: {  	_ =	shalt  }
0x76: {  	_ =	shalt  }
0x77: {  	_ =	shalt  }
0x78: {  	_ =	shalt  }
0x79: {  	_ =	shalt  }
0x7a: {  	_ =	shalt  }
0x7b: {  	_ =	shalt  }
0x7c: {  	_ =	shalt  }
0x7d: {  	_ =	shalt  }
0x7e: {  	_ =	shalt  }
0x7f: {  	_ =	shalt  }
0x80: {  	_ =	shalt  }
0x81: {  	_ =	shalt  }
0x82: {  	_ =	shalt  }
0x83: {  	_ =	shalt  }
0x84: {  	_ =	shalt  }
0x85: {  	_ =	shalt  }
0x86: {  	_ =	shalt  }
0x87: {  	_ =	shalt  }
.Lfunc_end0:
.L_simem_size_0:
called_computation.2_lowered:
.L_overlay_start_0:
0x88: {  	s2 =	sld [smem:$0x3FD9]  }
0x89: {  	s3 =	sld [smem:$0x3FFE];
	_ =	sdelay $0x1  }
0x8a: {  	s1 =	srdreg.scid  }
0x8b: {  	s0 =	sand.u32 $0x1, s1  }
0x8c: {  	s17 =	sshll.u32 s0, $0xA;
	s2 =	sadd.s32 s3, s2  }
0x8d: {  	s2 =	sadd.s32 s2, s17  }
0x8e: {  	[smem:$0x3FA6] =	sst s2  }
0x8f: {  	_ = 	snop  }
0x90: {  	s2 =	sld [smem:$0x3FD0];
	(tm) =	ssettm $0x1  }
0x91: {  	s18 =	sld [smem:$0x3FFB];
	_ =	sdelay $0x3  }
0x92: {  	_ =	strace s18  }
0x93: {  	s3 =	sld [smem:$0x3FFC];
	_ =	sdelay $0x3  }
0x94: {  	_ =	strace s3  }
0x95: {  	s3 =	sld [smem:$0x3FFD];
	_ =	sdelay $0x3  }
0x96: {  	_ =	strace s3  }
0x97: {  	_ =	strace $0x8FFFFFFF  }
0x98: {  	s19 =	sld [smem:$0x3FDB];
	_ =	sdelay $0x1  }
0x99: {  	s4 =	simm.s32 $_scs_section_size  }
0x9a: {  	s5 =	simm.s32 $_size__tile_overlayer_lowered;
	s6 =	simm.s32 $_tile_overlayer_lowered  }
0x9b: {  	s22 =	simm.s32 $0x1BFF;
	s21 =	sshll.u32 s6, $0x1;
	s3 =	sadd.s32 s4, s19  }
0x9c: {  	s7 =	simm.s32 $0x0;
	s20 =	sshll.u32 s5, $0x1;
	s5 =	sadd.s32 s21, s3  }
0x9d: {  	[timem:s7], [sflag:s22] =	dma.local [hbm:s5], s20  }
0x9e: {  	_ =	swait.ge [sflag:s22], s20  }
0x9f: {  	s4 =	ssub.s32 $0x0, s20;
	[sflag:s22] =	ssyncset.done $0x0  }
0xa0: {  	[sflag:s22] =	ssyncadd.s32 s4;
	_ =	sdelay $0x1  }
0xa1: {  	s23 =	simm.s32 $0x1B8B  }
0xa2: {  	_ =	swait.ge [sflag:s23], $0x1  }
0xa3: {  	[sflag:s23] =	ssyncset.done $0x0  }
0xa4: {  	s25 =	simm.s32 $0x1B8E;
	s24 =	sld [smem:$0x3FFE];
	[sflag:s23] =	ssyncadd.s32 $0xFFFFFFFF  }
0xa5: {  	s26 =	simm.s32 $execute0_lowered;
	[smem:$0x3FD2] =	sst s25  }
0xa6: {  	s5 =	sshll.u32 s26, $0x1;
	_ =	strace $0x8000004C;
	[dreg:$0x1] =	wrdreg $0xFFFFFFFF  }
0xa7: {  	s28 =	simm.s32 $_size_execute0_lowered;
	s3 =	sadd.s32 s3, s5;
	[dreg:$0x0] =	wrdreg $0x0  }
0xa8: {  	s5 =	sshll.u32 s28, $0x1;
	[dreg:$0x2] =	wrdreg s3  }
0xa9: {  	[dreg:$0x3] =	wrdreg s5  }
0xaa: {  	[dreg:$0x4] =	wrdreg $0xC0  }
0xab: {  	_ =	task [dreg:s7], $0x5FFFF  }
0xac: {  	[dreg:$0x1] =	wrdreg $0xFFFFFFFF  }
0xad: {  	[dreg:$0x0] =	wrdreg $0x60  }
0xae: {  	[dreg:$0x2] =	wrdreg s2  }
0xaf: {  	[dreg:$0x3] =	wrdreg s24  }
0xb0: {  	[dreg:$0x4] =	wrdreg $0x9  }
0xb1: {  	_ =	task.clear_ibuf [dreg:s7], $0x5FFFF;
	_ =	strace $0x9000004C  }
0xb2: {  	s29 =	simm.s32 $0x9;
	_ =	strace $0x8000004E  }
0xb3: {  	_ =	swait.ge [sflag:s29], $0x1  }
0xb4: {  	[sflag:s29] =	ssyncadd.s32 $0xFFFFFFFF  }
0xb5: {  	_ =	strace $0x9000004E  }
0xb6: {  	_ =	sfence  }
0xb7: {  	s30 =	sld [smem:$0x0];
	_ =	sdelay $0x2  }
0xb8: {  	s31 =	sshll.u32 s1, $0xD;
	s1 =	sshrl.u32 s1, $0x2  }
0xb9: {  	s3 =	sand.u32 $0x4000, s31;
	s1 =	sadd.s32 s1, s30  }
0xba: {  	s0 =	sor.u32 s3, s0;
	s1 =	sshll.u32 s1, $0x11  }
0xbb: {  	s0 =	sor.u32 s1, s0  }
0xbc: {  	s0 =	sadd.s32 $0x8F2B, s0  }
0xbd: {  	[sflag:s0] =	ssyncadd.remote.s32 $0x1  }
0xbe: {  	_ =	sfence.sel $0xFFFF  }
0xbf: {  	[dreg:$0x0] =	wrdreg $0xFFFFFFFF;
	(pc) =	sbr.abs _section_cstart, $3  }
0xc0: {  	[dreg:$0x1] =	wrdreg $0xFFFFFFFF  }
0xc1: {  	_ =	task.clear_ibuf [dreg:s7], $0x2FFFF;
	_ =	strace $0x9FFFFFFF  }
0xc2: {  	(tm) =	ssettm $0x7FFFFFFF  }
0xc3: {  	_ =	shalt  }
tec
execute0_lowered:
.L_overlay_start_1:
0x0: {  	(tag) =	ssettag $0x1  }
0x1: {  	s1 =	srdreg.scid;
	s0 =	stileid.u32  }
0x2: {  	s10 =	sand.u32 $0x1, s1;
	s30 =	sshll.u32 s0, $0x1  }
0x3: {  	s2 =	rddreg [dreg:$0x0];
	s1 =	sor.u32 s10, s30  }
0x4: {  	s8 =	rddreg [dreg:$0x1];
	s3 =	simm.s32 $0x0;
	s9 =	smul.u32 $0x2710, s1  }
0x5: {  	[smem:$0x7FF] =	sst s3  }
0x6: {  	s11 =	sadd.s32 $0x2E800, s8;
	s1 =	rddreg [dreg:$0x2];
	s4 =	sshrl.u32 s9, $0x3  }
0x7: {  	_ =	strace $0x8000004D;
	s5 =	sadd.s32 s11, s4;
	s4 =	simm.s32 $0x2  }
0x8: {  	[tilespmem:s3], [sflag:$0x2] =	stream.linear.gather [hbm4b:s5+s3], $0x1388, $0x38;
	[tilespmem:$0xAFC8] =	vst v63  }
0x9: {  	_ =	swait.ge [sflag:s4], $0x1388  }
0xa: {  	[sflag:s4] =	ssyncset.done $0x0  }
0xb: {  	s6 =	simm.s32 $0x1388;
	s7 =	simm.s32 $0x1;
	[sflag:s4] =	ssyncadd.s32 $0xFFFFEC78  }
0xc: {  	[tilespmem:s6], [sflag:$0x1] =	stream.indirect.gather [hbm4b:s2+s6], $0x8, s3, s6, $0xb8;
	[tilespmem:$0xAFC8] =	vst v63  }
0xd: {  	_ =	swait.ge [sflag:s7], $0x9C40  }
0xe: {  	s12 =	sadd.s32 $0x42400, s8;
	[sflag:s7] =	ssyncset.done $0x0  }
0xf: {  	s8 =	sadd.s32 s12, s9;
	[sflag:s7] =	ssyncadd.s32 $0xFFFF63C0  }
0x10: {  	[hbm4b:s8+s3] =	stream.linear.scatter [tilespmem:s6], [sflag:$0x2], $0x9C40, $0x38;
	[tilespmem:$0xAFC8] =	vst v63  }
0x11: {  	s13 =	sadd.s32 $0x1388, s9;
	_ =	swait.ge [sflag:s4], $0x9C40  }
0x12: {  	s9 =	sshrl.u32 s13, $0x3;
	[sflag:s4] =	ssyncset.done $0x0  }
0x13: {  	s10 =	ssub.s32 $0x2, s10;
	s9 =	sadd.s32 s11, s9;
	[sflag:s4] =	ssyncadd.s32 $0xFFFF63C0  }
0x14: {  	[tilespmem:s3], [sflag:$0x2] =	stream.linear.gather [hbm4b:s9+s3], $0x1388, $0x38;
	[tilespmem:$0xAFC8] =	vst v63  }
0x15: {  	s31 =	sshrl.u32 s10, $0x1;
	_ =	swait.ge [sflag:s4], $0x1388  }
0x16: {  	s11 =	ssub.s32 s10, s31;
	[sflag:s4] =	ssyncset.done $0x0  }
0x17: {  	s11 =	smax.u32 s11, $0x1;
	[sflag:s4] =	ssyncadd.s32 $0xFFFFEC78  }
0x18: {  	[tilespmem:s6], [sflag:$0x1] =	stream.indirect.gather [hbm4b:s2+s6], $0x8, s3, s6, $0xb8;
	[tilespmem:$0xAFC8] =	vst v63  }
0x19: {  	p0 =	sne.s32 s11, $0x1;
	_ =	swait.ge [sflag:s7], $0x9C40  }
.Ltmp0:
0x1a: {  	[sflag:s7] =	ssyncset.done $0x0;
	(pc) =	sbr.rel @!p0 .LBB2_2-.Ltmp0, $4  }
0x1b: {  	s10 =	sadd.s32 s12, s13;
	[sflag:s7] =	ssyncadd.s32 $0xFFFF63C0  }
0x1c: {  	[hbm4b:s10+s3] =	stream.linear.scatter [tilespmem:s6], [sflag:$0x2], $0x9C40, $0x38;
	[tilespmem:$0xAFC8] =	vst v63  }
0x1d: {  	_ =	swait.ge [sflag:s4], $0x9C40  }
0x1e: {  	s11 =	sadd.s32 $0xFFFFFFFF, s11;
	[sflag:s4] =	ssyncset.done $0x0  }
.LBB2_1:
0x1f: {  	p0 =	sne.s32 s11, $0x1;
	s11 =	sadd.s32 $0xFFFFFFFF, s11;
	[sflag:s4] =	ssyncadd.s32 $0xFFFF63C0  }
0x20: {  	[tilespmem:s3], [sflag:$0x2] =	stream.linear.gather [hbm4b:s5+s3], $0x1388, $0x38;
	[tilespmem:$0xAFC8] =	vst v63  }
0x21: {  	_ =	swait.ge [sflag:s4], $0x1388  }
0x22: {  	[sflag:s4] =	ssyncset.done $0x0  }
0x23: {  	[sflag:s4] =	ssyncadd.s32 $0xFFFFEC78  }
0x24: {  	[tilespmem:s6], [sflag:$0x1] =	stream.indirect.gather [hbm4b:s2+s6], $0x8, s3, s6, $0xb8;
	[tilespmem:$0xAFC8] =	vst v63  }
0x25: {  	_ =	swait.ge [sflag:s7], $0x9C40  }
0x26: {  	[sflag:s7] =	ssyncset.done $0x0  }
0x27: {  	[sflag:s7] =	ssyncadd.s32 $0xFFFF63C0  }
0x28: {  	[hbm4b:s8+s3] =	stream.linear.scatter [tilespmem:s6], [sflag:$0x2], $0x9C40, $0x38;
	[tilespmem:$0xAFC8] =	vst v63  }
0x29: {  	_ =	swait.ge [sflag:s4], $0x9C40  }
0x2a: {  	[sflag:s4] =	ssyncset.done $0x0  }
0x2b: {  	[sflag:s4] =	ssyncadd.s32 $0xFFFF63C0  }
0x2c: {  	[tilespmem:s3], [sflag:$0x2] =	stream.linear.gather [hbm4b:s9+s3], $0x1388, $0x38;
	[tilespmem:$0xAFC8] =	vst v63  }
0x2d: {  	_ =	swait.ge [sflag:s4], $0x1388  }
0x2e: {  	[sflag:s4] =	ssyncset.done $0x0  }
0x2f: {  	[sflag:s4] =	ssyncadd.s32 $0xFFFFEC78  }
0x30: {  	[tilespmem:s6], [sflag:$0x1] =	stream.indirect.gather [hbm4b:s2+s6], $0x8, s3, s6, $0xb8;
	[tilespmem:$0xAFC8] =	vst v63  }
0x31: {  	_ =	swait.ge [sflag:s7], $0x9C40  }
.Ltmp1:
0x32: {  	[sflag:s7] =	ssyncset.done $0x0;
	(pc) =	sbr.rel @p0 .LBB2_1-.Ltmp1, $4  }
0x33: {  	[sflag:s7] =	ssyncadd.s32 $0xFFFF63C0  }
0x34: {  	[hbm4b:s10+s3] =	stream.linear.scatter [tilespmem:s6], [sflag:$0x2], $0x9C40, $0x38;
	[tilespmem:$0xAFC8] =	vst v63  }
0x35: {  	_ =	swait.ge [sflag:s4], $0x9C40  }
0x36: {  	[sflag:s4] =	ssyncset.done $0x0  }
.LBB2_2:
0x37: {  	[sflag:s4] =	ssyncadd.s32 $0xFFFF63C0  }
0x38: {  	_ =	sfence.sel $0x180000  }
0x39: {  	[bflag:$0x0] =	sbarrier.arrive $0xFFFF  }
0x3a: {  	p0 =	sne.s32 s0, $0x0;
	_ =	strace $0x9000004D  }
0x3b: {  	s0 =	sadd.s32 @!p0 $0x100000, s1;
	[bflag:$0x2] =	sbarrier.arrive $0xFFFF  }
0x3c: {  	[sflag:s0] =	ssyncadd.tile.s32 @!p0 $0x1;
	_ =	shalt  }
.Lfunc_end2:
_tile_overlayer_lowered:
.L_overlay_start_2:
0x3d: {  	(tag) =	ssettag $0x2  }
0x3e: {  	s0 =	rddreg [dreg:$0x0];
	s2 =	stileid.u32  }
0x3f: {  	s1 =	rddreg [dreg:$0x1];
	p0 =	sne.s32 s2, $0x0  }
0x40: {  	s3 =	rddreg [dreg:$0x2];
	[bflag:$0x3] =	sbarrier.arrive $0xFFFF;
	s2 =	simm.s32 @!p0 $0x1C02  }
0x41: {  	[timem:s3], [sflag:s2] =	dma.local @!p0 [hbm:s0], s1  }
0x42: {  	s0 =	simm.s32 @!p0 $0x2  }
0x43: {  	_ =	swait.ge @!p0 [sflag:s0], s1  }
0x44: {  	s1 =	ssub.s32 @!p0 $0x0, s1;
	[sflag:s0] =	ssyncset.done @!p0 $0x0  }
0x45: {  	[sflag:s0] =	ssyncadd.s32 @!p0 s1  }
0x46: {  	[bflag:$0x3] =	sbarrier.arrive $0xFFFF  }
0x47: {  	_ =	shalt  }

// kernel: kernel.21.cloned.1.call-start
scs
__scs_entry_jumppad:
0x0: {  	(pc) =	sbr.rel $0x88, $3  }
0x1: {  	(tag) =	ssettag $0x0;
	lr =	simm.s32 $0x1  }
0x2: {  	[smem:$0x3F7F] =	sst lr;
	_ =	strace $0xD0000000  }
0x3: {  	_ = 	snop  }
0x4: {  	_ = 	snop  }
0x5: {  	_ = 	snop  }
0x6: {  	_ = 	snop  }
0x7: {  	_ = 	snop  }
__scs_overlays_trampoline_lowered:
0x8: {  	[smem:$0x3F8E] =	sst s0  }
0x9: {  	[smem:$0x3F8F] =	sst s1  }
0xa: {  	[smem:$0x3F90] =	sst s2  }
0xb: {  	[smem:$0x3F91] =	sst s3  }
0xc: {  	[smem:$0x3F92] =	sst s4  }
0xd: {  	[smem:$0x3F93] =	sst s5  }
0xe: {  	[smem:$0x3F94] =	sst s6  }
0xf: {  	[smem:$0x3F95] =	sst s7  }
0x10: {  	[smem:$0x3F96] =	sst s8  }
0x11: {  	[smem:$0x3F97] =	sst s9;
	s0 =	simm.s32 @!p0 $0x0  }
0x12: {  	s1 =	sld [smem:$0x3F7D];
	s0 =	simm.s32 @p0 $0x1  }
0x13: {  	[smem:$0x3F98] =	sst s0;
	s0 =	simm.s32 @!p1 $0x0  }
0x14: {  	s2 =	sld [smem:$0x3F7C];
	s0 =	simm.s32 @p1 $0x1  }
0x15: {  	[smem:$0x3F99] =	sst s0;
	s0 =	simm.s32 @!p2 $0x0  }
0x16: {  	s3 =	sld [smem:$0x3FDB];
	s0 =	simm.s32 @p2 $0x1  }
0x17: {  	s4 =	simm.s32 $0x1BF5;
	[smem:$0x3F9B] =	sst s0  }
0x18: {  	s0 =	sld [smem:$0x3F7E];
	_ =	swait.ge [sflag:s4], $0x0  }
0x19: {  	s7 =	sld [smem:$0x3F7F]  }
0x1a: {  	s8 =	sadd.s32 $0xFFFFE003, lr  }
0x1b: {  	s9 =	sadd.s32 $0xFFFFFEF7, lr;
	s5 =	simm.s32 $0xFFFFFFFF;
	p2 =	slt.u32 s8, $0xFFFFF086  }
0x1c: {  	p1 =	slt.u32 s9, $0xF7A;
	s5 =	simm.s32 @!p2 $0x0  }
0x1d: {  	s5 =	simm.s32 @p1 $0x1;
	p0 =	seq.s32 s7, s2  }
0x1e: {  	s7 =	smul.u32 @!p0 $0xF7A, s2;
	p2 =	seq.s32 @!p0 s5, $0x0  }
0x1f: {  	s9 =	smul.u32 $0xF7A, s1;
	s8 =	simm.s32 @!p0 $0x1BF5;
	p2 =	por !p2, p0  }
0x20: {  	[sflag:s8] =	ssyncset.s32 @!p0 $0xFFFFF086;
	s6 =	sadd.s32 @!p0 s3, s7;
	s7 =	simm.s32 @!p0 $0x108  }
0x21: {  	s3 =	sadd.s32 s3, s9;
	s6 =	sadd.s32 @!p0 $0x88, s6;
	s7 =	simm.s32 @p2 $0x1082  }
0x22: {  	[simem:s7], [sflag:s8] =	dma.local @!p0 [hbm:s6], $0xF7A  }
0x23: {  	s9 =	sor.u32 $0xD0000000, s2;
	s6 =	simm.s32 $0x108;
	_ =	swait.ge @!p0 [sflag:s8], $0x0  }
0x24: {  	s3 =	sadd.s32 $0x88, s3;
	s6 =	simm.s32 @!p1 $0x1082;
	[sflag:s4] =	ssyncset.s32 $0xFFFFF086  }
0x25: {  	[simem:s6], [sflag:s4] =	dma.local [hbm:s3], $0xF7A  }
0x26: {  	[smem:$0x3F7F] =	sst s1;
	(tag) =	ssettag s2;
	_ =	strace s9  }
0x27: {  	s1 =	sld [smem:$0x3F8F]  }
0x28: {  	s2 =	sld [smem:$0x3F90]  }
0x29: {  	s4 =	sld [smem:$0x3F92]  }
0x2a: {  	p0 =	seq.s32 s5, $0x0;
	s5 =	sld [smem:$0x3F93]  }
0x2b: {  	s6 =	sld [smem:$0x3F94]  }
0x2c: {  	s7 =	sld [smem:$0x3F95]  }
0x2d: {  	s3 =	simm.s32 $0x108;
	s8 =	sld [smem:$0x3F96]  }
0x2e: {  	s3 =	simm.s32 @!p0 $0x1082;
	s9 =	sld [smem:$0x3F97]  }
0x2f: {  	lr =	sadd.s32 s0, s3;
	s0 =	sld [smem:$0x3F8E]  }
0x30: {  	s3 =	sld [smem:$0x3F91]  }
0x31: {  	[smem:$0x3F9A] =	sst s10  }
0x32: {  	s10 =	sld [smem:$0x3F98];
	_ =	sdelay $0x3  }
0x33: {  	p0 =	seq.s32 s10, $0x1;
	s10 =	sld [smem:$0x3F9A];
	_ =	sdelay $0x3  }
0x34: {  	[smem:$0x3F9A] =	sst s10  }
0x35: {  	s10 =	sld [smem:$0x3F99];
	_ =	sdelay $0x3  }
0x36: {  	p1 =	seq.s32 s10, $0x1;
	s10 =	sld [smem:$0x3F9A];
	_ =	sdelay $0x3  }
0x37: {  	[smem:$0x3F9A] =	sst s10  }
0x38: {  	s10 =	sld [smem:$0x3F9B]  }
0x39: {  	_ = 	snop;
	(pc) =	sbr.ind lr, $3  }
0x3a: {  	_ = 	snop  }
0x3b: {  	_ = 	snop  }
0x3c: {  	p2 =	seq.s32 s10, $0x1;
	s10 =	sld [smem:$0x3F9A]  }
0x3d: {  	_ =	shalt  }
0x3e: {  	_ =	shalt  }
0x3f: {  	_ =	shalt  }
0x40: {  	_ =	shalt  }
0x41: {  	_ =	shalt  }
0x42: {  	_ =	shalt  }
0x43: {  	_ =	shalt  }
0x44: {  	_ =	shalt  }
0x45: {  	_ =	shalt  }
0x46: {  	_ =	shalt  }
0x47: {  	_ =	shalt  }
0x48: {  	_ =	shalt  }
0x49: {  	_ =	shalt  }
0x4a: {  	_ =	shalt  }
0x4b: {  	_ =	shalt  }
0x4c: {  	_ =	shalt  }
0x4d: {  	_ =	shalt  }
0x4e: {  	_ =	shalt  }
0x4f: {  	_ =	shalt  }
0x50: {  	_ =	shalt  }
0x51: {  	_ =	shalt  }
0x52: {  	_ =	shalt  }
0x53: {  	_ =	shalt  }
0x54: {  	_ =	shalt  }
0x55: {  	_ =	shalt  }
0x56: {  	_ =	shalt  }
0x57: {  	_ =	shalt  }
0x58: {  	_ =	shalt  }
0x59: {  	_ =	shalt  }
0x5a: {  	_ =	shalt  }
0x5b: {  	_ =	shalt  }
0x5c: {  	_ =	shalt  }
0x5d: {  	_ =	shalt  }
0x5e: {  	_ =	shalt  }
0x5f: {  	_ =	shalt  }
0x60: {  	_ =	shalt  }
0x61: {  	_ =	shalt  }
0x62: {  	_ =	shalt  }
0x63: {  	_ =	shalt  }
0x64: {  	_ =	shalt  }
0x65: {  	_ =	shalt  }
0x66: {  	_ =	shalt  }
0x67: {  	_ =	shalt  }
0x68: {  	_ =	shalt  }
0x69: {  	_ =	shalt  }
0x6a: {  	_ =	shalt  }
0x6b: {  	_ =	shalt  }
0x6c: {  	_ =	shalt  }
0x6d: {  	_ =	shalt  }
0x6e: {  	_ =	shalt  }
0x6f: {  	_ =	shalt  }
0x70: {  	_ =	shalt  }
0x71: {  	_ =	shalt  }
0x72: {  	_ =	shalt  }
0x73: {  	_ =	shalt  }
0x74: {  	_ =	shalt  }
0x75: {  	_ =	shalt  }
0x76: {  	_ =	shalt  }
0x77: {  	_ =	shalt  }
0x78: {  	_ =	shalt  }
0x79: {  	_ =	shalt  }
0x7a: {  	_ =	shalt  }
0x7b: {  	_ =	shalt  }
0x7c: {  	_ =	shalt  }
0x7d: {  	_ =	shalt  }
0x7e: {  	_ =	shalt  }
0x7f: {  	_ =	shalt  }
0x80: {  	_ =	shalt  }
0x81: {  	_ =	shalt  }
0x82: {  	_ =	shalt  }
0x83: {  	_ =	shalt  }
0x84: {  	_ =	shalt  }
0x85: {  	_ =	shalt  }
0x86: {  	_ =	shalt  }
0x87: {  	_ =	shalt  }
.Lfunc_end0:
.L_simem_size_0:
called_computation.3_lowered:
.L_overlay_start_0:
0x88: {  	s2 =	sld [smem:$0x3FD9]  }
0x89: {  	s3 =	sld [smem:$0x3FFE];
	_ =	sdelay $0x1  }
0x8a: {  	s1 =	srdreg.scid  }
0x8b: {  	s0 =	sand.u32 $0x1, s1  }
0x8c: {  	s17 =	sshll.u32 s0, $0xA;
	s2 =	sadd.s32 s3, s2  }
0x8d: {  	s2 =	sadd.s32 s2, s17  }
0x8e: {  	[smem:$0x3FA6] =	sst s2  }
0x8f: {  	_ = 	snop  }
0x90: {  	s2 =	sld [smem:$0x3FD0];
	(tm) =	ssettm $0x1  }
0x91: {  	s18 =	sld [smem:$0x3FFB];
	_ =	sdelay $0x3  }
0x92: {  	_ =	strace s18  }
0x93: {  	s3 =	sld [smem:$0x3FFC];
	_ =	sdelay $0x3  }
0x94: {  	_ =	strace s3  }
0x95: {  	s3 =	sld [smem:$0x3FFD];
	_ =	sdelay $0x3  }
0x96: {  	_ =	strace s3  }
0x97: {  	_ =	strace $0x8FFFFFFF  }
0x98: {  	s19 =	sld [smem:$0x3FDB];
	_ =	sdelay $0x1  }
0x99: {  	s4 =	simm.s32 $_scs_section_size  }
0x9a: {  	s5 =	simm.s32 $_size__tile_overlayer_lowered;
	s6 =	simm.s32 $_tile_overlayer_lowered  }
0x9b: {  	s22 =	simm.s32 $0x1BFF;
	s21 =	sshll.u32 s6, $0x1;
	s3 =	sadd.s32 s4, s19  }
0x9c: {  	s7 =	simm.s32 $0x0;
	s20 =	sshll.u32 s5, $0x1;
	s5 =	sadd.s32 s21, s3  }
0x9d: {  	[timem:s7], [sflag:s22] =	dma.local [hbm:s5], s20  }
0x9e: {  	_ =	swait.ge [sflag:s22], s20  }
0x9f: {  	s4 =	ssub.s32 $0x0, s20;
	[sflag:s22] =	ssyncset.done $0x0  }
0xa0: {  	[sflag:s22] =	ssyncadd.s32 s4;
	_ =	sdelay $0x1  }
0xa1: {  	s23 =	simm.s32 $0x1B8B  }
0xa2: {  	_ =	swait.ge [sflag:s23], $0x1  }
0xa3: {  	[sflag:s23] =	ssyncset.done $0x0  }
0xa4: {  	s25 =	simm.s32 $0x1B8E;
	s24 =	sld [smem:$0x3FFE];
	[sflag:s23] =	ssyncadd.s32 $0xFFFFFFFF  }
0xa5: {  	s26 =	simm.s32 $execute0_lowered;
	[smem:$0x3FD2] =	sst s25  }
0xa6: {  	s5 =	sshll.u32 s26, $0x1;
	_ =	strace $0x8000004F;
	[dreg:$0x1] =	wrdreg $0xFFFFFFFF  }
0xa7: {  	s28 =	simm.s32 $_size_execute0_lowered;
	s3 =	sadd.s32 s3, s5;
	[dreg:$0x0] =	wrdreg $0x0  }
0xa8: {  	s5 =	sshll.u32 s28, $0x1;
	[dreg:$0x2] =	wrdreg s3  }
0xa9: {  	[dreg:$0x3] =	wrdreg s5  }
0xaa: {  	[dreg:$0x4] =	wrdreg $0xC0  }
0xab: {  	_ =	task [dreg:s7], $0x5FFFF  }
0xac: {  	[dreg:$0x1] =	wrdreg $0xFFFFFFFF  }
0xad: {  	[dreg:$0x0] =	wrdreg $0x60  }
0xae: {  	[dreg:$0x2] =	wrdreg s24  }
0xaf: {  	[dreg:$0x3] =	wrdreg s2  }
0xb0: {  	[dreg:$0x4] =	wrdreg $0x14C080  }
0xb1: {  	[dreg:$0x5] =	wrdreg $0x9  }
0xb2: {  	_ =	task.clear_ibuf [dreg:s7], $0x6FFFF;
	_ =	strace $0x9000004F  }
0xb3: {  	s29 =	simm.s32 $0x9;
	_ =	strace $0x80000051  }
0xb4: {  	_ =	swait.ge [sflag:s29], $0x1  }
0xb5: {  	[sflag:s29] =	ssyncadd.s32 $0xFFFFFFFF  }
0xb6: {  	_ =	strace $0x90000051  }
0xb7: {  	_ =	sfence  }
0xb8: {  	s30 =	sld [smem:$0x0];
	_ =	sdelay $0x2  }
0xb9: {  	s31 =	sshll.u32 s1, $0xD;
	s1 =	sshrl.u32 s1, $0x2  }
0xba: {  	s3 =	sand.u32 $0x4000, s31;
	s1 =	sadd.s32 s1, s30  }
0xbb: {  	s0 =	sor.u32 s3, s0;
	s1 =	sshll.u32 s1, $0x11  }
0xbc: {  	s0 =	sor.u32 s1, s0  }
0xbd: {  	s0 =	sadd.s32 $0x8F2B, s0  }
0xbe: {  	[sflag:s0] =	ssyncadd.remote.s32 $0x1  }
0xbf: {  	_ =	sfence.sel $0xFFFF  }
0xc0: {  	[dreg:$0x0] =	wrdreg $0xFFFFFFFF;
	(pc) =	sbr.abs _section_cstart, $3  }
0xc1: {  	[dreg:$0x1] =	wrdreg $0xFFFFFFFF  }
0xc2: {  	_ =	task.clear_ibuf [dreg:s7], $0x2FFFF;
	_ =	strace $0x9FFFFFFF  }
0xc3: {  	(tm) =	ssettm $0x7FFFFFFF  }
tec
execute0_lowered:
.L_overlay_start_1:
0x0: {  	(tag) =	ssettag $0x1  }
0x1: {  	s13 =	rddreg [dreg:$0x0]  }
0x2: {  	s4 =	rddreg [dreg:$0x1]  }
0x3: {  	s2 =	rddreg [dreg:$0x2]  }
0x4: {  	s0 =	rddreg [dreg:$0x3];
	s3 =	simm.s32 $0x0;
	s1 =	stileid.u32  }
0x5: {  	s5 =	srdreg.scid;
	[smem:$0x7FF] =	sst s3  }
0x6: {  	s14 =	smul.u32 $0x2710, s1;
	s15 =	sand.u32 $0x1, s5;
	s25 =	sshll.u32 s1, $0x1  }
0x7: {  	s26 =	sshll.u32 s1, $0x6;
	_ =	strace $0x80000050;
	s9 =	sor.u32 s15, s25  }
0x8: {  	s5 =	sor.u32 $0x1C01, s26;
	s6 =	sadd.s32 s14, s2;
	s7 =	sshrl.u32 s14, $0x3  }
0x9: {  	s4 =	sadd.s32 s4, s7;
	s7 =	sshrl.u32 s6, $0x3;
	s6 =	simm.s32 $0x1  }
0xa: {  	[spmem:s7], [sflag:s5] =	dma.local [hbm:s4], $0x4E2  }
0xb: {  	s11 =	smul.u32 $0x2710, s9;
	_ =	swait.ge [sflag:s6], $0x4E2  }
0xc: {  	[sflag:s6] =	ssyncset.done $0x0  }
0xd: {  	s12 =	sadd.s32 $0x38600, s13;
	s8 =	sshrl.u32 s11, $0x3;
	[sflag:s6] =	ssyncadd.s32 $0xFFFFFB1E  }
0xe: {  	s8 =	sadd.s32 s12, s8;
	[bflag:$0x0] =	sbarrier.arrive $0xFFFF  }
0xf: {  	[tilespmem:s3], [sflag:$0x1] =	stream.linear.gather [hbm4b:s8+s3], $0x1388, $0x38;
	[tilespmem:$0x17318] =	vst v63  }
0x10: {  	s9 =	smul.u32 $0x4E20, s9;
	_ =	swait.ge [sflag:s6], $0x1388  }
0x11: {  	s16 =	sadd.s32 $0x42400, s13;
	[sflag:s6] =	ssyncset.done $0x0  }
0x12: {  	s10 =	simm.s32 $0x1388;
	s9 =	sadd.s32 s16, s9;
	[sflag:s6] =	ssyncadd.s32 $0xFFFFEC78  }
0x13: {  	[tilespmem:s10], [sflag:$0x1] =	stream.linear.gather [hbm4b:s9+s3], $0x13880, $0x38;
	[tilespmem:$0x17318] =	vst v63  }
0x14: {  	_ =	swait.ge [sflag:s6], $0x13880  }
0x15: {  	[sflag:s6] =	ssyncset.done $0x0  }
0x16: {  	[sflag:s6] =	ssyncadd.s32 $0xFFFEC780  }
0x17: {  	[spmem:s2] =	stream.indirect.scatter.add.f32 [tilespmem:s10], [sflag:$0x1], $0x10, s3, s10, $0xb8;
	[tilespmem:$0x17318] =	vst v63  }
0x18: {  	s17 =	sadd.s32 $0x1388, s11;
	_ =	swait.ge [sflag:s6], $0x13880  }
0x19: {  	s11 =	sshrl.u32 s17, $0x3;
	[sflag:s6] =	ssyncset.done $0x0  }
0x1a: {  	s11 =	sadd.s32 s12, s11;
	[sflag:s6] =	ssyncadd.s32 $0xFFFEC780  }
0x1b: {  	[tilespmem:s3], [sflag:$0x1] =	stream.linear.gather [hbm4b:s11+s3], $0x1388, $0x38;
	[tilespmem:$0x17318] =	vst v63  }
0x1c: {  	_ =	swait.ge [sflag:s6], $0x1388  }
0x1d: {  	s28 =	sshll.u32 s17, $0x1;
	[sflag:s6] =	ssyncset.done $0x0  }
0x1e: {  	s29 =	smul.u32 $0x27100, s15;
	s12 =	sadd.s32 s16, s28;
	[sflag:s6] =	ssyncadd.s32 $0xFFFFEC78  }
0x1f: {  	[tilespmem:s10], [sflag:$0x1] =	stream.linear.gather [hbm4b:s12+s3], $0x13880, $0x38;
	[tilespmem:$0x17318] =	vst v63  }
0x20: {  	s15 =	ssub.s32 $0x2, s15;
	_ =	swait.ge [sflag:s6], $0x13880  }
0x21: {  	s30 =	sshrl.u32 s15, $0x1;
	s14 =	sadd.s32 s14, s29;
	[sflag:s6] =	ssyncset.done $0x0  }
0x22: {  	s31 =	ssub.s32 s15, s30;
	s14 =	sshrl.u32 s14, $0x3;
	[sflag:s6] =	ssyncadd.s32 $0xFFFEC780  }
0x23: {  	[spmem:s2] =	stream.indirect.scatter.add.f32 [tilespmem:s10], [sflag:$0x1], $0x10, s3, s10, $0xb8;
	[tilespmem:$0x17318] =	vst v63  }
0x24: {  	s13 =	sadd.s32 s14, s13;
	s14 =	smax.u32 s31, $0x1;
	_ =	swait.ge [sflag:s6], $0x13880  }
0x25: {  	p0 =	sne.s32 s14, $0x1;
	[sflag:s6] =	ssyncset.done $0x0  }
.Ltmp0:
0x26: {  	[sflag:s6] =	ssyncadd.s32 $0xFFFEC780;
	(pc) =	sbr.rel @!p0 .LBB2_2-.Ltmp0, $4  }
0x27: {  	s13 =	sadd.s32 $0x7600, s13;
	[bflag:$0x0] =	sbarrier.arrive $0xFFFF  }
0x28: {  	[hbm:s13], [sflag:s5] =	dma.local [spmem:s7], $0x4E2  }
0x29: {  	_ =	swait.ge [sflag:s6], $0x4E2  }
0x2a: {  	s14 =	sadd.s32 $0xFFFFFFFF, s14;
	[sflag:s6] =	ssyncset.done $0x0  }
.LBB2_1:
0x2b: {  	p0 =	sne.s32 s14, $0x1;
	s14 =	sadd.s32 $0xFFFFFFFF, s14;
	[sflag:s6] =	ssyncadd.s32 $0xFFFFFB1E  }
0x2c: {  	[spmem:s7], [sflag:s5] =	dma.local [hbm:s4], $0x4E2  }
0x2d: {  	_ =	swait.ge [sflag:s6], $0x4E2  }
0x2e: {  	[sflag:s6] =	ssyncset.done $0x0  }
0x2f: {  	[sflag:s6] =	ssyncadd.s32 $0xFFFFFB1E  }
0x30: {  	[bflag:$0x0] =	sbarrier.arrive $0xFFFF  }
0x31: {  	[tilespmem:s3], [sflag:$0x1] =	stream.linear.gather [hbm4b:s8+s3], $0x1388, $0x38;
	[tilespmem:$0x17318] =	vst v63  }
0x32: {  	_ =	swait.ge [sflag:s6], $0x1388  }
0x33: {  	[sflag:s6] =	ssyncset.done $0x0  }
0x34: {  	[sflag:s6] =	ssyncadd.s32 $0xFFFFEC78  }
0x35: {  	[tilespmem:s10], [sflag:$0x1] =	stream.linear.gather [hbm4b:s9+s3], $0x13880, $0x38;
	[tilespmem:$0x17318] =	vst v63  }
0x36: {  	_ =	swait.ge [sflag:s6], $0x13880  }
0x37: {  	[sflag:s6] =	ssyncset.done $0x0  }
0x38: {  	[sflag:s6] =	ssyncadd.s32 $0xFFFEC780  }
0x39: {  	[spmem:s2] =	stream.indirect.scatter.add.f32 [tilespmem:s10], [sflag:$0x1], $0x10, s3, s10, $0xb8;
	[tilespmem:$0x17318] =	vst v63  }
0x3a: {  	_ =	swait.ge [sflag:s6], $0x13880  }
0x3b: {  	[sflag:s6] =	ssyncset.done $0x0  }
0x3c: {  	[sflag:s6] =	ssyncadd.s32 $0xFFFEC780  }
0x3d: {  	[tilespmem:s3], [sflag:$0x1] =	stream.linear.gather [hbm4b:s11+s3], $0x1388, $0x38;
	[tilespmem:$0x17318] =	vst v63  }
0x3e: {  	_ =	swait.ge [sflag:s6], $0x1388  }
0x3f: {  	[sflag:s6] =	ssyncset.done $0x0  }
0x40: {  	[sflag:s6] =	ssyncadd.s32 $0xFFFFEC78  }
0x41: {  	[tilespmem:s10], [sflag:$0x1] =	stream.linear.gather [hbm4b:s12+s3], $0x13880, $0x38;
	[tilespmem:$0x17318] =	vst v63  }
0x42: {  	_ =	swait.ge [sflag:s6], $0x13880  }
0x43: {  	[sflag:s6] =	ssyncset.done $0x0  }
0x44: {  	[sflag:s6] =	ssyncadd.s32 $0xFFFEC780  }
0x45: {  	[spmem:s2] =	stream.indirect.scatter.add.f32 [tilespmem:s10], [sflag:$0x1], $0x10, s3, s10, $0xb8;
	[tilespmem:$0x17318] =	vst v63  }
0x46: {  	_ =	swait.ge [sflag:s6], $0x13880  }
0x47: {  	[sflag:s6] =	ssyncset.done $0x0  }
.Ltmp1:
0x48: {  	[sflag:s6] =	ssyncadd.s32 $0xFFFEC780;
	(pc) =	sbr.rel @p0 .LBB2_1-.Ltmp1, $4  }
0x49: {  	[bflag:$0x0] =	sbarrier.arrive $0xFFFF  }
0x4a: {  	[hbm:s13], [sflag:s5] =	dma.local [spmem:s7], $0x4E2  }
0x4b: {  	_ =	swait.ge [sflag:s6], $0x4E2  }
0x4c: {  	[sflag:s6] =	ssyncset.done $0x0  }
.LBB2_2:
0x4d: {  	[sflag:s6] =	ssyncadd.s32 $0xFFFFFB1E  }
0x4e: {  	_ =	sfence.sel $0x180000  }
0x4f: {  	[bflag:$0x0] =	sbarrier.arrive $0xFFFF  }
0x50: {  	p0 =	sne.s32 s1, $0x0;
	_ =	strace $0x90000050  }
0x51: {  	s0 =	sadd.s32 @!p0 $0x100000, s0;
	[bflag:$0x2] =	sbarrier.arrive $0xFFFF  }
0x52: {  	[sflag:s0] =	ssyncadd.tile.s32 @!p0 $0x1;
	_ =	shalt  }
.Lfunc_end2:
_tile_overlayer_lowered:
.L_overlay_start_2:
0x53: {  	(tag) =	ssettag $0x2  }
0x54: {  	s0 =	rddreg [dreg:$0x0];
	s2 =	stileid.u32  }
0x55: {  	s1 =	rddreg [dreg:$0x1];
	p0 =	sne.s32 s2, $0x0  }
0x56: {  	s3 =	rddreg [dreg:$0x2];
	[bflag:$0x3] =	sbarrier.arrive $0xFFFF;
	s2 =	simm.s32 @!p0 $0x1C01  }
0x57: {  	[timem:s3], [sflag:s2] =	dma.local @!p0 [hbm:s0], s1  }
0x58: {  	s0 =	simm.s32 @!p0 $0x1  }
0x59: {  	_ =	swait.ge @!p0 [sflag:s0], s1  }
0x5a: {  	s1 =	ssub.s32 @!p0 $0x0, s1;
	[sflag:s0] =	ssyncset.done @!p0 $0x0  }
0x5b: {  	[sflag:s0] =	ssyncadd.s32 @!p0 s1  }
0x5c: {  	[bflag:$0x3] =	sbarrier.arrive $0xFFFF  }
0x5d: {  	_ =	shalt  }

</sc_bundles>
